<compile_context>
chip_gen: v7x
topology: tpu7x:2x2x1
jax: 0.10.2.dev20260603
libtpu: 0.0.44.dev20260713+nightly
codegen_flags: <defaults>
</compile_context>

<pallas_src>
import functools

import jax
import jax.numpy as jnp
from jax import lax
from jax.experimental import pallas as pl
from jax.experimental.pallas import tpu as pltpu
from jax.experimental.pallas import tpu_sc as plsc

N_TILES = 16
CHUNK = 128
ECHUNK = 256
BR = 1280



def _make_deg_kernel(np_rows, chunks_per_tile):
    mesh = plsc.VectorSubcoreMesh(core_axis_name="c", subcore_axis_name="s")
    epr = chunks_per_tile * ECHUNK
    hrows = np_rows // CHUNK

    @functools.partial(
        pl.kernel,
        out_type=jax.ShapeDtypeStruct((2, hrows, CHUNK), jnp.float32),
        mesh=mesh,
        scratch_types=[
            pltpu.VMEM((epr,), jnp.int32),
            pltpu.VMEM((hrows, CHUNK), jnp.float32),
            pltpu.VMEM((hrows,), jnp.int32),
            pltpu.VMEM_SHARED((hrows, CHUNK), jnp.float32),
        ],
        compiler_params=pltpu.CompilerParams(needs_layout_passes=False),
    )
    def deg_kernel(dst_hbm, zeros_hbm, deg_hbm, dst_v, hist_v, iota_v, acc):
        c = lax.axis_index("c")
        t = lax.axis_index("s")
        pltpu.sync_copy(dst_hbm.at[c, t], dst_v)

        zero16 = jnp.zeros((16,), jnp.float32)

        def zrow(r, carry):
            for k in range(CHUNK // 16):
                hist_v[r, pl.ds(k * 16, 16)] = zero16
            return carry

        lax.fori_loop(0, hrows, zrow, 0)
        for k in range(hrows // 16):
            iota_v[pl.ds(k * 16, 16)] = (
                lax.iota(jnp.int32, 16) + jnp.int32(k * 16))

        @pl.when(t < hrows // 8)
        def _():
            h0 = t * 8
            pltpu.sync_copy(zeros_hbm.at[pl.ds(h0, 8)],
                            acc.at[pl.ds(h0, 8)])

        ones16 = jnp.ones((16,), jnp.float32)

        def body(i, carry):
            idx = dst_v[pl.ds(i * 16, 16)]
            row = lax.shift_right_logical(idx, 7)
            col = lax.bitwise_and(idx, jnp.int32(CHUNK - 1))
            plsc.addupdate_scatter(hist_v, [row, col], ones16)
            return carry

        lax.fori_loop(0, epr // 16, body, 0)
        plsc.subcore_barrier()
        pltpu.sync_copy(hist_v, acc.at[iota_v], add=True)
        plsc.subcore_barrier()

        @pl.when(t < hrows // 8)
        def _():
            h0 = t * 8
            pltpu.sync_copy(acc.at[pl.ds(h0, 8)],
                            deg_hbm.at[c, pl.ds(h0, 8)])

    return deg_kernel


def _make_spmm_kernel(np_rows, rows_per_tile, chunks_per_tile, d):
    mesh = plsc.VectorSubcoreMesh(core_axis_name="c", subcore_axis_name="s")

    @functools.partial(
        pl.kernel,
        out_type=jax.ShapeDtypeStruct((2, np_rows, d), jnp.float32),
        mesh=mesh,
        scratch_types=[
            pltpu.VMEM((2, ECHUNK), jnp.int32),
            pltpu.VMEM((ECHUNK,), jnp.int32),
            pltpu.VMEM((ECHUNK,), jnp.int32),
            pltpu.VMEM((ECHUNK, d), jnp.float32),
            pltpu.SemaphoreType.DMA,
            pltpu.VMEM_SHARED((np_rows, d), jnp.float32),
        ],
    )
    def spmm_kernel(y_hbm, sd_hbm, zeros_hbm, out_hbm,
                    sd_v, src_v, dst_v, rows_v, sem, acc):
        c = lax.axis_index("c")
        t = lax.axis_index("s")
        r0 = t * rows_per_tile
        pltpu.sync_copy(zeros_hbm.at[pl.ds(r0, rows_per_tile)],
                        acc.at[pl.ds(r0, rows_per_tile)])
        plsc.subcore_barrier()

        def chunk(j, carry):
            pltpu.sync_copy(sd_hbm.at[c, t, j], sd_v)
            for k in range(ECHUNK // 16):
                sl = pl.ds(k * 16, 16)
                src_v[sl] = sd_v[0, sl]
                dst_v[sl] = sd_v[1, sl]
            pltpu.async_copy(y_hbm.at[src_v], rows_v, sem).wait()
            pltpu.sync_copy(rows_v, acc.at[dst_v], add=True)
            return carry

        lax.fori_loop(0, chunks_per_tile, chunk, 0)
        plsc.subcore_barrier()
        pltpu.sync_copy(acc.at[pl.ds(r0, rows_per_tile)],
                        out_hbm.at[c, pl.ds(r0, rows_per_tile)])

    return spmm_kernel



def _y0_body(x_ref, w_ref, deg_ref, y_ref, dis_ref):
    dis = lax.rsqrt(jnp.maximum(deg_ref[0] + 1.0, 1.0))
    xw = jnp.dot(x_ref[0], w_ref[...], preferred_element_type=jnp.float32)
    y_ref[0] = xw * dis
    dis_ref[0] = dis


def _mid_body(pre_ref, y_ref, dis_ref, b_ref, m_ref, mb_ref, wn_ref,
              h_ref, ynext_ref):
    dis = dis_ref[0]
    z = jnp.maximum(dis * (pre_ref[0] + y_ref[0]) + b_ref[...], 0.0)
    h = jnp.dot(z, m_ref[...], preferred_element_type=jnp.float32) + mb_ref[...]
    h_ref[0] = h
    ynext_ref[0] = jnp.dot(h, wn_ref[...],
                           preferred_element_type=jnp.float32) * dis


def _fin_body(pre_ref, y_ref, dis_ref, b_ref, m_ref, mb_ref, h0_ref, w_ref,
              out_ref):
    dis = dis_ref[0]
    z = jnp.maximum(dis * (pre_ref[0] + y_ref[0]) + b_ref[...], 0.0)
    h1 = jnp.dot(z, m_ref[...], preferred_element_type=jnp.float32) + mb_ref[...]
    w0 = w_ref[0, 0]
    w1 = w_ref[0, 1]
    wn0 = w0 / jnp.maximum(jnp.abs(w0), 1e-12)
    wn1 = w1 / jnp.maximum(jnp.abs(w1), 1e-12)
    out_ref[0] = wn0 * h0_ref[0] + wn1 * h1


def _row_spec(d):
    return pl.BlockSpec((1, BR, d), lambda g, i: (g, i, 0))


def _full_spec(shape):
    return pl.BlockSpec(shape, lambda g, i: tuple(0 for _ in shape))



def kernel(X1, X2, edge_index1, edge_index2, w, W0, b0, W1, b1,
           M0, mb0, M1, mb1):
    n, d = X1.shape
    e = edge_index1.shape[1]

    per_tile_q = BR // N_TILES
    rows_per_tile = -(-((n + N_TILES - 1) // N_TILES) // per_tile_q) * per_tile_q
    np_rows = N_TILES * rows_per_tile
    chunks_per_tile = (e + N_TILES * ECHUNK - 1) // (N_TILES * ECHUNK)
    ep = N_TILES * ECHUNK * chunks_per_tile
    pad = ep - e

    f32 = jnp.float32
    i32 = jnp.int32

    X = jnp.zeros((2, np_rows, d), f32).at[:, :n].set(jnp.stack([X1, X2]))

    def edges(ei, goff):
        src = jnp.concatenate([ei[0], jnp.zeros((pad,), i32)]) + goff
        dst = jnp.concatenate([ei[1], jnp.full((pad,), n, i32)])
        return src, dst

    src1, dst1 = edges(edge_index1, 0)
    src2, dst2 = edges(edge_index2, np_rows)
    eshape = (2, N_TILES, chunks_per_tile, ECHUNK)
    src_all = jnp.stack([src1, src2]).reshape(eshape)
    dst_all = jnp.stack([dst1, dst2]).reshape(eshape)
    sd_all = jnp.stack([src_all, dst_all], axis=3)

    zeros_mat = jnp.zeros((np_rows, d), f32)

    deg_k = _make_deg_kernel(np_rows, chunks_per_tile)
    spmm_k = _make_spmm_kernel(np_rows, rows_per_tile, chunks_per_tile, d)

    deg = deg_k(dst_all.reshape(2, N_TILES, -1), zeros_mat)
    deg = deg.reshape(2, np_rows, 1)

    grid = (2, np_rows // BR)
    col_spec = pl.BlockSpec((1, BR, 1), lambda g, i: (g, i, 0))
    row_spec = _row_spec(d)

    y0, dis = pl.pallas_call(
        _y0_body,
        grid=grid,
        in_specs=[row_spec, _full_spec((d, d)), col_spec],
        out_specs=[row_spec, col_spec],
        out_shape=[jax.ShapeDtypeStruct((2, np_rows, d), f32),
                   jax.ShapeDtypeStruct((2, np_rows, 1), f32)],
    )(X, W0, deg)

    pre0 = spmm_k(y0.reshape(2 * np_rows, d), sd_all, zeros_mat)

    h0, y1 = pl.pallas_call(
        _mid_body,
        grid=grid,
        in_specs=[row_spec, row_spec, col_spec, _full_spec((1, d)),
                  _full_spec((d, d)), _full_spec((1, d)), _full_spec((d, d))],
        out_specs=[row_spec, row_spec],
        out_shape=[jax.ShapeDtypeStruct((2, np_rows, d), f32),
                   jax.ShapeDtypeStruct((2, np_rows, d), f32)],
    )(pre0, y0, dis, b0.reshape(1, d), M0, mb0.reshape(1, d), W1)

    pre1 = spmm_k(y1.reshape(2 * np_rows, d), sd_all, zeros_mat)

    out = pl.pallas_call(
        _fin_body,
        grid=grid,
        in_specs=[row_spec, row_spec, col_spec, _full_spec((1, d)),
                  _full_spec((d, d)), _full_spec((1, d)), row_spec,
                  pl.BlockSpec(memory_space=pltpu.SMEM)],
        out_specs=row_spec,
        out_shape=jax.ShapeDtypeStruct((2, np_rows, d), f32),
    )(pre1, y1, dis, b1.reshape(1, d), M1, mb1.reshape(1, d), h0, w)

    return out[0, :n], out[1, :n]

# --- scband reference (transcript-rebuilt; emitter-appended) ---
"""Pipeline reference for scband-gnnpropagator-21560735825980 (READ-ONLY COPY).

The authoritative reference and input builder live on the scoring server;
editing this copy changes nothing except your own understanding.
"""

import jax, jax.numpy as jnp
import numpy as np

N = 10000
E = 320000
D = 128
OUT_DIM = 128
N_LAYERS = 2


def setup_inputs(seed: int = 0):
    key = jax.random.key(seed)
    ks = jax.random.split(key, 16)
    glorot = float(np.sqrt(2.0 / (D + D)))
    inp = {}
    inp['X1'] = jax.random.normal(ks[0], (N, D), dtype=jnp.float32)
    inp['X2'] = jax.random.normal(ks[1], (N, D), dtype=jnp.float32)
    inp['edge_index1'] = jax.random.randint(ks[2], (2, E), 0, N, dtype=jnp.int32)
    inp['edge_index2'] = jax.random.randint(ks[3], (2, E), 0, N, dtype=jnp.int32)
    # learnable layer-aggregation weight w: shape (1, n_layers), xavier_normal
    inp['w'] = jax.random.normal(ks[4], (1, N_LAYERS), dtype=jnp.float32) * float(np.sqrt(2.0 / (1 + N_LAYERS)))
    # GCNConv weights (stored as [in, out]) + biases
    inp['W0'] = jax.random.normal(ks[5], (D, D), dtype=jnp.float32) * glorot
    inp['b0'] = jnp.zeros((D,), dtype=jnp.float32)
    inp['W1'] = jax.random.normal(ks[6], (D, D), dtype=jnp.float32) * glorot
    inp['b1'] = jnp.zeros((D,), dtype=jnp.float32)
    # per-layer MLP (nn.Linear(dims[i+1], out_dim)) weights as [in, out] + biases
    inp['M0'] = jax.random.normal(ks[7], (D, OUT_DIM), dtype=jnp.float32) * glorot
    inp['mb0'] = jnp.zeros((OUT_DIM,), dtype=jnp.float32)
    inp['M1'] = jax.random.normal(ks[8], (D, OUT_DIM), dtype=jnp.float32) * glorot
    inp['mb1'] = jnp.zeros((OUT_DIM,), dtype=jnp.float32)
    return inp


def gcn_conv(x, edge_index, W, b):
    # PyG-style GCNConv: add self-loops, symmetric deg normalization, scatter-add aggregation
    n = x.shape[0]
    loop = jnp.arange(n, dtype=edge_index.dtype)
    src = jnp.concatenate([edge_index[0], loop])
    dst = jnp.concatenate([edge_index[1], loop])
    deg = jnp.zeros((n,), dtype=x.dtype).at[dst].add(1.0)
    deg_inv_sqrt = 1.0 / jnp.sqrt(jnp.clip(deg, 1.0, None))
    norm = deg_inv_sqrt[src] * deg_inv_sqrt[dst]
    xw = x @ W
    msg = xw[src] * norm[:, None]
    out = jnp.zeros_like(xw).at[dst].add(msg)
    return out + b


def reference(X1, X2, edge_index1, edge_index2, w, W0, b0, W1, b1, M0, mb0, M1, mb1):
    # bypass_GSBD == True for gnn_type 'GCN' -> G, S, BD_list are all None
    wn = w / jnp.maximum(jnp.linalg.norm(w, axis=0, keepdims=True), 1e-12)  # F.normalize(w, p=2, dim=0)
    gcn_params = [(W0, b0), (W1, b1)]
    mlp_params = [(M0, mb0), (M1, mb1)]
    X1s, X2s = [], []
    for i in range(N_LAYERS):
        X1 = gcn_conv(X1, edge_index1, gcn_params[i][0], gcn_params[i][1])
        X2 = gcn_conv(X2, edge_index2, gcn_params[i][0], gcn_params[i][1])
        # layer_AGG_w_MLP = True: ReLU then per-layer Linear
        X1 = jax.nn.relu(X1) @ mlp_params[i][0] + mlp_params[i][1]
        X2 = jax.nn.relu(X2) @ mlp_params[i][0] + mlp_params[i][1]
        X1s.append(X1)
        X2s.append(X2)
    X1s = jnp.stack(X1s, axis=0)
    X2s = jnp.stack(X2s, axis=0)
    X1 = (wn @ X1s.reshape(wn.shape[1], -1)).reshape(X1s.shape[1], X1s.shape[2])
    X2 = (wn @ X2s.reshape(wn.shape[1], -1)).reshape(X2s.shape[1], X2s.shape[2])
    return (X1, X2)

if __name__ == "__main__":
    import jax
    _d = setup_inputs()
    print(jax.jit(kernel)(*tuple(_d.values())))

</pallas_src>

<mosaic_0001>
#map = affine_map<(d0, d1) -> (0, 0, 0)>
#map1 = affine_map<(d0, d1) -> (0, 0)>
module attributes {stable_mosaic.version = 14 : i64} {
  func.func @deg_kernel(%arg0: i32, %arg1: i32, %arg2: memref<2x16x20224xi32, #tpu.memory_space<hbm>>, %arg3: memref<10240x128xf32, #tpu.memory_space<hbm>>, %arg4: memref<2x80x128xf32, #tpu.memory_space<hbm>>, %arg5: memref<20224xi32, #tpu.memory_space<vmem>>, %arg6: memref<80x128xf32, #tpu.memory_space<vmem>>, %arg7: memref<80xi32, #tpu.memory_space<vmem>>, %arg8: memref<80x128xf32, #tpu.memory_space<vmem_shared>>) attributes {dimension_semantics = [#tpu.dimension_semantics<core_parallel>, #tpu.dimension_semantics<subcore_parallel>], iteration_bounds = array<i64: 2, 16>, scalar_prefetch = 0 : i64, scratch_operands = 4 : i64, tpu.core_type = #tpu.core_type<sc_vector_subcore>, window_params = [{transform_indices = #map}, {transform_indices = #map1}, {transform_indices = #map}]} {
    "tpu.region"() ({
      %run_scoped3A = tpu.sem_alloc : memref<!tpu.dma_semaphore, #tpu.memory_space<semaphore_mem>>
      %dma_start3A = arith.constant 0 : i32
      %dma_start3A_49 = tpu.memref_slice %arg2[%arg0, %arg1, %dma_start3A] : memref<2x16x20224xi32, #tpu.memory_space<hbm>> -> memref<1x1x20224xi32, #tpu.memory_space<hbm>>
      %dma_start3A_50 = tpu.memref_squeeze %dma_start3A_49 : memref<1x1x20224xi32, #tpu.memory_space<hbm>> -> memref<20224xi32, #tpu.memory_space<hbm>>
      %dma_start3A_51 = arith.constant 0 : i32
      %dma_start3A_52 = tpu.memref_slice %arg2[%arg0, %arg1, %dma_start3A_51] : memref<2x16x20224xi32, #tpu.memory_space<hbm>> -> memref<1x1x20224xi32, #tpu.memory_space<hbm>>
      %dma_start3A_53 = tpu.memref_squeeze %dma_start3A_52 : memref<1x1x20224xi32, #tpu.memory_space<hbm>> -> memref<20224xi32, #tpu.memory_space<hbm>>
      tpu.enqueue_dma source(%dma_start3A_53 : memref<20224xi32, #tpu.memory_space<hbm>>) target(%arg5 : memref<20224xi32, #tpu.memory_space<vmem>>) target_semaphore(%run_scoped3A : memref<!tpu.dma_semaphore, #tpu.memory_space<semaphore_mem>>)
      %dma_wait3A = arith.constant 0 : i32
      %dma_wait3A_54 = tpu.memref_slice %arg2[%arg0, %arg1, %dma_wait3A] : memref<2x16x20224xi32, #tpu.memory_space<hbm>> -> memref<1x1x20224xi32, #tpu.memory_space<hbm>>
      %dma_wait3A_55 = tpu.memref_squeeze %dma_wait3A_54 : memref<1x1x20224xi32, #tpu.memory_space<hbm>> -> memref<20224xi32, #tpu.memory_space<hbm>>
      %dma_wait3A_56 = arith.constant 0 : i32
      %dma_wait3A_57 = tpu.memref_slice %arg2[%arg0, %arg1, %dma_wait3A_56] : memref<2x16x20224xi32, #tpu.memory_space<hbm>> -> memref<1x1x20224xi32, #tpu.memory_space<hbm>>
      %dma_wait3A_58 = tpu.memref_squeeze %dma_wait3A_57 : memref<1x1x20224xi32, #tpu.memory_space<hbm>> -> memref<20224xi32, #tpu.memory_space<hbm>>
      tpu.wait_dma2 semaphore(%run_scoped3A : memref<!tpu.dma_semaphore, #tpu.memory_space<semaphore_mem>>) src(%dma_wait3A_58 : memref<20224xi32, #tpu.memory_space<hbm>>) dst(%arg5 : memref<20224xi32, #tpu.memory_space<vmem>>)
      tpu.yield
    }) : () -> ()
    %broadcast_in_dim3A = arith.constant 0.000000e+00 : f32
    %broadcast_in_dim3A_0 = vector.broadcast %broadcast_in_dim3A : f32 to vector<16xf32>
    %scan3A = arith.constant 0 : i32
    %scan3A_1 = arith.constant 0 : i32
    %scan3A_2 = arith.constant 80 : i32
    %scan3A_3 = arith.addi %scan3A_1, %scan3A_2 : i32
    %scan3A_4 = arith.constant 1 : i32
    scf.for %scan3A_49 = %scan3A_1 to %scan3A_3 step %scan3A_4  : i32 {
      %swap3A_50 = arith.index_cast %scan3A_49 : i32 to index
      %swap3A_51 = arith.constant 0 : index
      %swap3A_52 = tpu.vector_load %arg6[%swap3A_50, %swap3A_51] {strides = array<i32>} : memref<80x128xf32, #tpu.memory_space<vmem>>, vector<16xf32>,
      tpu.vector_store %arg6[%swap3A_50, %swap3A_51], %broadcast_in_dim3A_0 {strides = array<i32>} : memref<80x128xf32, #tpu.memory_space<vmem>>, vector<16xf32>,
      %swap3A_53 = arith.index_cast %scan3A_49 : i32 to index
      %swap3A_54 = arith.constant 16 : index
      %swap3A_55 = tpu.vector_load %arg6[%swap3A_53, %swap3A_54] {strides = array<i32>} : memref<80x128xf32, #tpu.memory_space<vmem>>, vector<16xf32>,
      tpu.vector_store %arg6[%swap3A_53, %swap3A_54], %broadcast_in_dim3A_0 {strides = array<i32>} : memref<80x128xf32, #tpu.memory_space<vmem>>, vector<16xf32>,
      %swap3A_56 = arith.index_cast %scan3A_49 : i32 to index
      %swap3A_57 = arith.constant 32 : index
      %swap3A_58 = tpu.vector_load %arg6[%swap3A_56, %swap3A_57] {strides = array<i32>} : memref<80x128xf32, #tpu.memory_space<vmem>>, vector<16xf32>,
      tpu.vector_store %arg6[%swap3A_56, %swap3A_57], %broadcast_in_dim3A_0 {strides = array<i32>} : memref<80x128xf32, #tpu.memory_space<vmem>>, vector<16xf32>,
      %swap3A_59 = arith.index_cast %scan3A_49 : i32 to index
      %swap3A_60 = arith.constant 48 : index
      %swap3A_61 = tpu.vector_load %arg6[%swap3A_59, %swap3A_60] {strides = array<i32>} : memref<80x128xf32, #tpu.memory_space<vmem>>, vector<16xf32>,
      tpu.vector_store %arg6[%swap3A_59, %swap3A_60], %broadcast_in_dim3A_0 {strides = array<i32>} : memref<80x128xf32, #tpu.memory_space<vmem>>, vector<16xf32>,
      %swap3A_62 = arith.index_cast %scan3A_49 : i32 to index
      %swap3A_63 = arith.constant 64 : index
      %swap3A_64 = tpu.vector_load %arg6[%swap3A_62, %swap3A_63] {strides = array<i32>} : memref<80x128xf32, #tpu.memory_space<vmem>>, vector<16xf32>,
      tpu.vector_store %arg6[%swap3A_62, %swap3A_63], %broadcast_in_dim3A_0 {strides = array<i32>} : memref<80x128xf32, #tpu.memory_space<vmem>>, vector<16xf32>,
      %swap3A_65 = arith.index_cast %scan3A_49 : i32 to index
      %swap3A_66 = arith.constant 80 : index
      %swap3A_67 = tpu.vector_load %arg6[%swap3A_65, %swap3A_66] {strides = array<i32>} : memref<80x128xf32, #tpu.memory_space<vmem>>, vector<16xf32>,
      tpu.vector_store %arg6[%swap3A_65, %swap3A_66], %broadcast_in_dim3A_0 {strides = array<i32>} : memref<80x128xf32, #tpu.memory_space<vmem>>, vector<16xf32>,
      %swap3A_68 = arith.index_cast %scan3A_49 : i32 to index
      %swap3A_69 = arith.constant 96 : index
      %swap3A_70 = tpu.vector_load %arg6[%swap3A_68, %swap3A_69] {strides = array<i32>} : memref<80x128xf32, #tpu.memory_space<vmem>>, vector<16xf32>,
      tpu.vector_store %arg6[%swap3A_68, %swap3A_69], %broadcast_in_dim3A_0 {strides = array<i32>} : memref<80x128xf32, #tpu.memory_space<vmem>>, vector<16xf32>,
      %swap3A_71 = arith.index_cast %scan3A_49 : i32 to index
      %swap3A_72 = arith.constant 112 : index
      %swap3A_73 = tpu.vector_load %arg6[%swap3A_71, %swap3A_72] {strides = array<i32>} : memref<80x128xf32, #tpu.memory_space<vmem>>, vector<16xf32>,
      tpu.vector_store %arg6[%swap3A_71, %swap3A_72], %broadcast_in_dim3A_0 {strides = array<i32>} : memref<80x128xf32, #tpu.memory_space<vmem>>, vector<16xf32>,
    }
    %scan3A_5 = arith.constant 80 : i32
    %iota3A = tpu.iota {dimensions = array<i32: 0>} : vector<16xi32>
    %add3A = arith.constant 0 : i32
    %add3A_6 = vector.broadcast %add3A : i32 to vector<16xi32>
    %add3A_7 = arith.addi %iota3A, %add3A_6 : vector<16xi32>
    %swap3A = arith.constant 0 : index
    %swap3A_8 = tpu.vector_load %arg7[%swap3A] {strides = array<i32>} : memref<80xi32, #tpu.memory_space<vmem>>, vector<16xi32>,
    tpu.vector_store %arg7[%swap3A], %add3A_7 {strides = array<i32>} : memref<80xi32, #tpu.memory_space<vmem>>, vector<16xi32>,
    %iota3A_9 = tpu.iota {dimensions = array<i32: 0>} : vector<16xi32>
    %add3A_10 = arith.constant 16 : i32
    %add3A_11 = vector.broadcast %add3A_10 : i32 to vector<16xi32>
    %add3A_12 = arith.addi %iota3A_9, %add3A_11 : vector<16xi32>
    %swap3A_13 = arith.constant 16 : index
    %swap3A_14 = tpu.vector_load %arg7[%swap3A_13] {strides = array<i32>} : memref<80xi32, #tpu.memory_space<vmem>>, vector<16xi32>,
    tpu.vector_store %arg7[%swap3A_13], %add3A_12 {strides = array<i32>} : memref<80xi32, #tpu.memory_space<vmem>>, vector<16xi32>,
    %iota3A_15 = tpu.iota {dimensions = array<i32: 0>} : vector<16xi32>
    %add3A_16 = arith.constant 32 : i32
    %add3A_17 = vector.broadcast %add3A_16 : i32 to vector<16xi32>
    %add3A_18 = arith.addi %iota3A_15, %add3A_17 : vector<16xi32>
    %swap3A_19 = arith.constant 32 : index
    %swap3A_20 = tpu.vector_load %arg7[%swap3A_19] {strides = array<i32>} : memref<80xi32, #tpu.memory_space<vmem>>, vector<16xi32>,
    tpu.vector_store %arg7[%swap3A_19], %add3A_18 {strides = array<i32>} : memref<80xi32, #tpu.memory_space<vmem>>, vector<16xi32>,
    %iota3A_21 = tpu.iota {dimensions = array<i32: 0>} : vector<16xi32>
    %add3A_22 = arith.constant 48 : i32
    %add3A_23 = vector.broadcast %add3A_22 : i32 to vector<16xi32>
    %add3A_24 = arith.addi %iota3A_21, %add3A_23 : vector<16xi32>
    %swap3A_25 = arith.constant 48 : index
    %swap3A_26 = tpu.vector_load %arg7[%swap3A_25] {strides = array<i32>} : memref<80xi32, #tpu.memory_space<vmem>>, vector<16xi32>,
    tpu.vector_store %arg7[%swap3A_25], %add3A_24 {strides = array<i32>} : memref<80xi32, #tpu.memory_space<vmem>>, vector<16xi32>,
    %iota3A_27 = tpu.iota {dimensions = array<i32: 0>} : vector<16xi32>
    %add3A_28 = arith.constant 64 : i32
    %add3A_29 = vector.broadcast %add3A_28 : i32 to vector<16xi32>
    %add3A_30 = arith.addi %iota3A_27, %add3A_29 : vector<16xi32>
    %swap3A_31 = arith.constant 64 : index
    %swap3A_32 = tpu.vector_load %arg7[%swap3A_31] {strides = array<i32>} : memref<80xi32, #tpu.memory_space<vmem>>, vector<16xi32>,
    tpu.vector_store %arg7[%swap3A_31], %add3A_30 {strides = array<i32>} : memref<80xi32, #tpu.memory_space<vmem>>, vector<16xi32>,
    %lt3A = arith.constant 10 : i32
    %lt3A_33 = arith.cmpi slt, %arg1, %lt3A : i32
    %convert_element_type3A = arith.extui %lt3A_33 : i1 to i32
    %cond3A = arith.constant 0 : i32
    %cond3A_34 = arith.cmpi ne, %convert_element_type3A, %cond3A : i32
    scf.if %cond3A_34 {
      %mul3A = arith.constant 8 : i32
      %mul3A_49 = arith.muli %arg1, %mul3A : i32
      "tpu.region"() ({
        %run_scoped3A = tpu.sem_alloc : memref<!tpu.dma_semaphore, #tpu.memory_space<semaphore_mem>>
        %dma_start3A = arith.constant 0 : i32
        %dma_start3A_50 = tpu.memref_slice %arg8[%mul3A_49, %dma_start3A] : memref<80x128xf32, #tpu.memory_space<vmem_shared>> -> memref<8x128xf32, #tpu.memory_space<vmem_shared>>
        %dma_start3A_51 = arith.constant 0 : i32
        %dma_start3A_52 = tpu.memref_slice %arg3[%mul3A_49, %dma_start3A_51] : memref<10240x128xf32, #tpu.memory_space<hbm>> -> memref<8x128xf32, #tpu.memory_space<hbm>>
        tpu.enqueue_dma source(%dma_start3A_52 : memref<8x128xf32, #tpu.memory_space<hbm>>) target(%dma_start3A_50 : memref<8x128xf32, #tpu.memory_space<vmem_shared>>) target_semaphore(%run_scoped3A : memref<!tpu.dma_semaphore, #tpu.memory_space<semaphore_mem>>)
        %dma_wait3A = arith.constant 0 : i32
        %dma_wait3A_53 = tpu.memref_slice %arg8[%mul3A_49, %dma_wait3A] : memref<80x128xf32, #tpu.memory_space<vmem_shared>> -> memref<8x128xf32, #tpu.memory_space<vmem_shared>>
        %dma_wait3A_54 = arith.constant 0 : i32
        %dma_wait3A_55 = tpu.memref_slice %arg3[%mul3A_49, %dma_wait3A_54] : memref<10240x128xf32, #tpu.memory_space<hbm>> -> memref<8x128xf32, #tpu.memory_space<hbm>>
        tpu.wait_dma2 semaphore(%run_scoped3A : memref<!tpu.dma_semaphore, #tpu.memory_space<semaphore_mem>>) src(%dma_wait3A_55 : memref<8x128xf32, #tpu.memory_space<hbm>>) dst(%dma_wait3A_53 : memref<8x128xf32, #tpu.memory_space<vmem_shared>>)
        tpu.yield
      }) : () -> ()
    } else {
    }
    %broadcast_in_dim3A_35 = arith.constant 1.000000e+00 : f32
    %broadcast_in_dim3A_36 = vector.broadcast %broadcast_in_dim3A_35 : f32 to vector<16xf32>
    %scan3A_37 = arith.constant 0 : i32
    %scan3A_38 = arith.constant 0 : i32
    %scan3A_39 = arith.constant 1264 : i32
    %scan3A_40 = arith.addi %scan3A_38, %scan3A_39 : i32
    %scan3A_41 = arith.constant 1 : i32
    scf.for %scan3A_49 = %scan3A_38 to %scan3A_40 step %scan3A_41  : i32 {
      %mul3A = arith.constant 16 : i32
      %mul3A_50 = arith.muli %scan3A_49, %mul3A : i32
      %get3A = arith.index_cast %mul3A_50 : i32 to index
      %get3A_51 = tpu.vector_load %arg5[%get3A] {strides = array<i32>} : memref<20224xi32, #tpu.memory_space<vmem>>, vector<16xi32>,
      %shift_right_logical3A = arith.constant 7 : i32
      %shift_right_logical3A_52 = vector.broadcast %shift_right_logical3A : i32 to vector<16xi32>
      %shift_right_logical3A_53 = arith.shrui %get3A_51, %shift_right_logical3A_52 : vector<16xi32>
      %and3A = arith.constant 127 : i32
      %and3A_54 = vector.broadcast %and3A : i32 to vector<16xi32>
      %and3A_55 = arith.andi %get3A_51, %and3A_54 : vector<16xi32>
      tpu.vector_store_idx %arg6[%shift_right_logical3A_53, %and3A_55], %broadcast_in_dim3A_36 {add = true} : memref<80x128xf32, #tpu.memory_space<vmem>>[vector<16xi32>, vector<16xi32>], vector<16xf32>,
    }
    %scan3A_42 = arith.constant 1264 : i32
    %barrier3A = arith.constant 0 : index
    tpu.barrier barrier_id(%barrier3A)
    "tpu.region"() ({
      %run_scoped3A = tpu.sem_alloc : memref<!tpu.dma_semaphore, #tpu.memory_space<semaphore_mem>>
      %dma_start3A = arith.constant 0 : i32
      %dma_start3A_49 = arith.constant 0 : i32
      %dma_start3A_50 = tpu.memref_slice %arg8[%dma_start3A, %dma_start3A_49] : memref<80x128xf32, #tpu.memory_space<vmem_shared>> -> memref<80x128xf32, #tpu.memory_space<vmem_shared>>
      tpu.enqueue_indirect_dma source(%arg6 : memref<80x128xf32, #tpu.memory_space<vmem>>) target(%dma_start3A_50 : memref<80x128xf32, #tpu.memory_space<vmem_shared>>) offsets(%arg7 : memref<80xi32, #tpu.memory_space<vmem>>) semaphore(%run_scoped3A : memref<!tpu.dma_semaphore, #tpu.memory_space<semaphore_mem>>) {add = true}
      %dma_wait3A = arith.constant 0 : i32
      %dma_wait3A_51 = arith.constant 0 : i32
      %dma_wait3A_52 = tpu.memref_slice %arg8[%dma_wait3A, %dma_wait3A_51] : memref<80x128xf32, #tpu.memory_space<vmem_shared>> -> memref<80x128xf32, #tpu.memory_space<vmem_shared>>
      tpu.wait_indirect_dma semaphore(%run_scoped3A : memref<!tpu.dma_semaphore, #tpu.memory_space<semaphore_mem>>) src(%arg6 : memref<80x128xf32, #tpu.memory_space<vmem>>) dst(%dma_wait3A_52 : memref<80x128xf32, #tpu.memory_space<vmem_shared>>)
      tpu.yield
    }) : () -> ()
    %barrier3A_43 = arith.constant 0 : index
    tpu.barrier barrier_id(%barrier3A_43)
    %lt3A_44 = arith.constant 10 : i32
    %lt3A_45 = arith.cmpi slt, %arg1, %lt3A_44 : i32
    %convert_element_type3A_46 = arith.extui %lt3A_45 : i1 to i32
    %cond3A_47 = arith.constant 0 : i32
    %cond3A_48 = arith.cmpi ne, %convert_element_type3A_46, %cond3A_47 : i32
    scf.if %cond3A_48 {
      %mul3A = arith.constant 8 : i32
      %mul3A_49 = arith.muli %arg1, %mul3A : i32
      "tpu.region"() ({
        %run_scoped3A = tpu.sem_alloc : memref<!tpu.dma_semaphore, #tpu.memory_space<semaphore_mem>>
        %dma_start3A = arith.constant 0 : i32
        %dma_start3A_50 = tpu.memref_slice %arg4[%arg0, %mul3A_49, %dma_start3A] : memref<2x80x128xf32, #tpu.memory_space<hbm>> -> memref<1x8x128xf32, #tpu.memory_space<hbm>>
        %dma_start3A_51 = tpu.memref_squeeze %dma_start3A_50 : memref<1x8x128xf32, #tpu.memory_space<hbm>> -> memref<8x128xf32, #tpu.memory_space<hbm>>
        %dma_start3A_52 = arith.constant 0 : i32
        %dma_start3A_53 = tpu.memref_slice %arg8[%mul3A_49, %dma_start3A_52] : memref<80x128xf32, #tpu.memory_space<vmem_shared>> -> memref<8x128xf32, #tpu.memory_space<vmem_shared>>
        tpu.enqueue_dma source(%dma_start3A_53 : memref<8x128xf32, #tpu.memory_space<vmem_shared>>) target(%dma_start3A_51 : memref<8x128xf32, #tpu.memory_space<hbm>>) target_semaphore(%run_scoped3A : memref<!tpu.dma_semaphore, #tpu.memory_space<semaphore_mem>>)
        %dma_wait3A = arith.constant 0 : i32
        %dma_wait3A_54 = tpu.memref_slice %arg4[%arg0, %mul3A_49, %dma_wait3A] : memref<2x80x128xf32, #tpu.memory_space<hbm>> -> memref<1x8x128xf32, #tpu.memory_space<hbm>>
        %dma_wait3A_55 = tpu.memref_squeeze %dma_wait3A_54 : memref<1x8x128xf32, #tpu.memory_space<hbm>> -> memref<8x128xf32, #tpu.memory_space<hbm>>
        %dma_wait3A_56 = arith.constant 0 : i32
        %dma_wait3A_57 = tpu.memref_slice %arg8[%mul3A_49, %dma_wait3A_56] : memref<80x128xf32, #tpu.memory_space<vmem_shared>> -> memref<8x128xf32, #tpu.memory_space<vmem_shared>>
        tpu.wait_dma2 semaphore(%run_scoped3A : memref<!tpu.dma_semaphore, #tpu.memory_space<semaphore_mem>>) src(%dma_wait3A_57 : memref<8x128xf32, #tpu.memory_space<vmem_shared>>) dst(%dma_wait3A_55 : memref<8x128xf32, #tpu.memory_space<hbm>>)
        tpu.yield
      }) : () -> ()
    } else {
    }
    return
  }
}

#map = affine_map<(d0, d1) -> (0, 0)>
#map1 = affine_map<(d0, d1) -> (0, 0, 0, 0, 0)>
#map2 = affine_map<(d0, d1) -> (0, 0, 0)>
module attributes {stable_mosaic.version = 14 : i64} {
  func.func @spmm_kernel(%arg0: i32, %arg1: i32, %arg2: memref<20480x128xf32, #tpu.memory_space<hbm>>, %arg3: memref<2x16x79x2x256xi32, #tpu.memory_space<hbm>>, %arg4: memref<10240x128xf32, #tpu.memory_space<hbm>>, %arg5: memref<2x10240x128xf32, #tpu.memory_space<hbm>>, %arg6: memref<2x256xi32, #tpu.memory_space<vmem>>, %arg7: memref<256xi32, #tpu.memory_space<vmem>>, %arg8: memref<256xi32, #tpu.memory_space<vmem>>, %arg9: memref<256x128xf32, #tpu.memory_space<vmem>>, %arg10: memref<!tpu.dma_semaphore, #tpu.memory_space<semaphore_mem>>, %arg11: memref<10240x128xf32, #tpu.memory_space<vmem_shared>>) attributes {dimension_semantics = [#tpu.dimension_semantics<core_parallel>, #tpu.dimension_semantics<subcore_parallel>], iteration_bounds = array<i64: 2, 16>, scalar_prefetch = 0 : i64, scratch_operands = 6 : i64, tpu.core_type = #tpu.core_type<sc_vector_subcore>, window_params = [{transform_indices = #map}, {transform_indices = #map1}, {transform_indices = #map}, {transform_indices = #map2}]} {
    %mul3A = arith.constant 640 : i32
    %mul3A_0 = arith.muli %arg1, %mul3A : i32
    "tpu.region"() ({
      %run_scoped3A = tpu.sem_alloc : memref<!tpu.dma_semaphore, #tpu.memory_space<semaphore_mem>>
      %dma_start3A = arith.constant 0 : i32
      %dma_start3A_7 = tpu.memref_slice %arg11[%mul3A_0, %dma_start3A] : memref<10240x128xf32, #tpu.memory_space<vmem_shared>> -> memref<640x128xf32, #tpu.memory_space<vmem_shared>>
      %dma_start3A_8 = arith.constant 0 : i32
      %dma_start3A_9 = tpu.memref_slice %arg4[%mul3A_0, %dma_start3A_8] : memref<10240x128xf32, #tpu.memory_space<hbm>> -> memref<640x128xf32, #tpu.memory_space<hbm>>
      tpu.enqueue_dma source(%dma_start3A_9 : memref<640x128xf32, #tpu.memory_space<hbm>>) target(%dma_start3A_7 : memref<640x128xf32, #tpu.memory_space<vmem_shared>>) target_semaphore(%run_scoped3A : memref<!tpu.dma_semaphore, #tpu.memory_space<semaphore_mem>>)
      %dma_wait3A = arith.constant 0 : i32
      %dma_wait3A_10 = tpu.memref_slice %arg11[%mul3A_0, %dma_wait3A] : memref<10240x128xf32, #tpu.memory_space<vmem_shared>> -> memref<640x128xf32, #tpu.memory_space<vmem_shared>>
      %dma_wait3A_11 = arith.constant 0 : i32
      %dma_wait3A_12 = tpu.memref_slice %arg4[%mul3A_0, %dma_wait3A_11] : memref<10240x128xf32, #tpu.memory_space<hbm>> -> memref<640x128xf32, #tpu.memory_space<hbm>>
      tpu.wait_dma2 semaphore(%run_scoped3A : memref<!tpu.dma_semaphore, #tpu.memory_space<semaphore_mem>>) src(%dma_wait3A_12 : memref<640x128xf32, #tpu.memory_space<hbm>>) dst(%dma_wait3A_10 : memref<640x128xf32, #tpu.memory_space<vmem_shared>>)
      tpu.yield
    }) : () -> ()
    %barrier3A = arith.constant 0 : index
    tpu.barrier barrier_id(%barrier3A)
    %scan3A = arith.constant 0 : i32
    %scan3A_1 = arith.constant 0 : i32
    %scan3A_2 = arith.constant 79 : i32
    %scan3A_3 = arith.addi %scan3A_1, %scan3A_2 : i32
    %scan3A_4 = arith.constant 1 : i32
    scf.for %scan3A_7 = %scan3A_1 to %scan3A_3 step %scan3A_4  : i32 {
      "tpu.region"() ({
        %run_scoped3A = tpu.sem_alloc : memref<!tpu.dma_semaphore, #tpu.memory_space<semaphore_mem>>
        %dma_start3A_298 = arith.constant 0 : i32
        %dma_start3A_299 = arith.constant 0 : i32
        %dma_start3A_300 = tpu.memref_slice %arg3[%arg0, %arg1, %scan3A_7, %dma_start3A_298, %dma_start3A_299] : memref<2x16x79x2x256xi32, #tpu.memory_space<hbm>> -> memref<1x1x1x2x256xi32, #tpu.memory_space<hbm>>
        %dma_start3A_301 = tpu.memref_squeeze %dma_start3A_300 : memref<1x1x1x2x256xi32, #tpu.memory_space<hbm>> -> memref<2x256xi32, #tpu.memory_space<hbm>>
        %dma_start3A_302 = arith.constant 0 : i32
        %dma_start3A_303 = arith.constant 0 : i32
        %dma_start3A_304 = tpu.memref_slice %arg3[%arg0, %arg1, %scan3A_7, %dma_start3A_302, %dma_start3A_303] : memref<2x16x79x2x256xi32, #tpu.memory_space<hbm>> -> memref<1x1x1x2x256xi32, #tpu.memory_space<hbm>>
        %dma_start3A_305 = tpu.memref_squeeze %dma_start3A_304 : memref<1x1x1x2x256xi32, #tpu.memory_space<hbm>> -> memref<2x256xi32, #tpu.memory_space<hbm>>
        tpu.enqueue_dma source(%dma_start3A_305 : memref<2x256xi32, #tpu.memory_space<hbm>>) target(%arg6 : memref<2x256xi32, #tpu.memory_space<vmem>>) target_semaphore(%run_scoped3A : memref<!tpu.dma_semaphore, #tpu.memory_space<semaphore_mem>>)
        %dma_wait3A_306 = arith.constant 0 : i32
        %dma_wait3A_307 = arith.constant 0 : i32
        %dma_wait3A_308 = tpu.memref_slice %arg3[%arg0, %arg1, %scan3A_7, %dma_wait3A_306, %dma_wait3A_307] : memref<2x16x79x2x256xi32, #tpu.memory_space<hbm>> -> memref<1x1x1x2x256xi32, #tpu.memory_space<hbm>>
        %dma_wait3A_309 = tpu.memref_squeeze %dma_wait3A_308 : memref<1x1x1x2x256xi32, #tpu.memory_space<hbm>> -> memref<2x256xi32, #tpu.memory_space<hbm>>
        %dma_wait3A_310 = arith.constant 0 : i32
        %dma_wait3A_311 = arith.constant 0 : i32
        %dma_wait3A_312 = tpu.memref_slice %arg3[%arg0, %arg1, %scan3A_7, %dma_wait3A_310, %dma_wait3A_311] : memref<2x16x79x2x256xi32, #tpu.memory_space<hbm>> -> memref<1x1x1x2x256xi32, #tpu.memory_space<hbm>>
        %dma_wait3A_313 = tpu.memref_squeeze %dma_wait3A_312 : memref<1x1x1x2x256xi32, #tpu.memory_space<hbm>> -> memref<2x256xi32, #tpu.memory_space<hbm>>
        tpu.wait_dma2 semaphore(%run_scoped3A : memref<!tpu.dma_semaphore, #tpu.memory_space<semaphore_mem>>) src(%dma_wait3A_313 : memref<2x256xi32, #tpu.memory_space<hbm>>) dst(%arg6 : memref<2x256xi32, #tpu.memory_space<vmem>>)
        tpu.yield
      }) : () -> ()
      %get3A = arith.constant 0 : i32
      %get3A_8 = arith.index_cast %get3A : i32 to index
      %get3A_9 = arith.constant 0 : index
      %get3A_10 = tpu.vector_load %arg6[%get3A_8, %get3A_9] {strides = array<i32>} : memref<2x256xi32, #tpu.memory_space<vmem>>, vector<1x16xi32>,
      %get3A_11 = vector.shape_cast %get3A_10 : vector<1x16xi32> to vector<16xi32>
      %swap3A = arith.constant 0 : index
      %swap3A_12 = tpu.vector_load %arg7[%swap3A] {strides = array<i32>} : memref<256xi32, #tpu.memory_space<vmem>>, vector<16xi32>,
      %swap3A_13 = vector.shape_cast %swap3A_12 : vector<16xi32> to vector<16xi32>
      %swap3A_14 = vector.shape_cast %get3A_11 : vector<16xi32> to vector<16xi32>
      tpu.vector_store %arg7[%swap3A], %swap3A_14 {strides = array<i32>} : memref<256xi32, #tpu.memory_space<vmem>>, vector<16xi32>,
      %get3A_15 = arith.constant 1 : i32
      %get3A_16 = arith.index_cast %get3A_15 : i32 to index
      %get3A_17 = arith.constant 0 : index
      %get3A_18 = tpu.vector_load %arg6[%get3A_16, %get3A_17] {strides = array<i32>} : memref<2x256xi32, #tpu.memory_space<vmem>>, vector<1x16xi32>,
      %get3A_19 = vector.shape_cast %get3A_18 : vector<1x16xi32> to vector<16xi32>
      %swap3A_20 = arith.constant 0 : index
      %swap3A_21 = tpu.vector_load %arg8[%swap3A_20] {strides = array<i32>} : memref<256xi32, #tpu.memory_space<vmem>>, vector<16xi32>,
      %swap3A_22 = vector.shape_cast %swap3A_21 : vector<16xi32> to vector<16xi32>
      %swap3A_23 = vector.shape_cast %get3A_19 : vector<16xi32> to vector<16xi32>
      tpu.vector_store %arg8[%swap3A_20], %swap3A_23 {strides = array<i32>} : memref<256xi32, #tpu.memory_space<vmem>>, vector<16xi32>,
      %get3A_24 = arith.constant 0 : i32
      %get3A_25 = arith.index_cast %get3A_24 : i32 to index
      %get3A_26 = arith.constant 16 : index
      %get3A_27 = tpu.vector_load %arg6[%get3A_25, %get3A_26] {strides = array<i32>} : memref<2x256xi32, #tpu.memory_space<vmem>>, vector<1x16xi32>,
      %get3A_28 = vector.shape_cast %get3A_27 : vector<1x16xi32> to vector<16xi32>
      %swap3A_29 = arith.constant 16 : index
      %swap3A_30 = tpu.vector_load %arg7[%swap3A_29] {strides = array<i32>} : memref<256xi32, #tpu.memory_space<vmem>>, vector<16xi32>,
      %swap3A_31 = vector.shape_cast %swap3A_30 : vector<16xi32> to vector<16xi32>
      %swap3A_32 = vector.shape_cast %get3A_28 : vector<16xi32> to vector<16xi32>
      tpu.vector_store %arg7[%swap3A_29], %swap3A_32 {strides = array<i32>} : memref<256xi32, #tpu.memory_space<vmem>>, vector<16xi32>,
      %get3A_33 = arith.constant 1 : i32
      %get3A_34 = arith.index_cast %get3A_33 : i32 to index
      %get3A_35 = arith.constant 16 : index
      %get3A_36 = tpu.vector_load %arg6[%get3A_34, %get3A_35] {strides = array<i32>} : memref<2x256xi32, #tpu.memory_space<vmem>>, vector<1x16xi32>,
      %get3A_37 = vector.shape_cast %get3A_36 : vector<1x16xi32> to vector<16xi32>
      %swap3A_38 = arith.constant 16 : index
      %swap3A_39 = tpu.vector_load %arg8[%swap3A_38] {strides = array<i32>} : memref<256xi32, #tpu.memory_space<vmem>>, vector<16xi32>,
      %swap3A_40 = vector.shape_cast %swap3A_39 : vector<16xi32> to vector<16xi32>
      %swap3A_41 = vector.shape_cast %get3A_37 : vector<16xi32> to vector<16xi32>
      tpu.vector_store %arg8[%swap3A_38], %swap3A_41 {strides = array<i32>} : memref<256xi32, #tpu.memory_space<vmem>>, vector<16xi32>,
      %get3A_42 = arith.constant 0 : i32
      %get3A_43 = arith.index_cast %get3A_42 : i32 to index
      %get3A_44 = arith.constant 32 : index
      %get3A_45 = tpu.vector_load %arg6[%get3A_43, %get3A_44] {strides = array<i32>} : memref<2x256xi32, #tpu.memory_space<vmem>>, vector<1x16xi32>,
      %get3A_46 = vector.shape_cast %get3A_45 : vector<1x16xi32> to vector<16xi32>
      %swap3A_47 = arith.constant 32 : index
      %swap3A_48 = tpu.vector_load %arg7[%swap3A_47] {strides = array<i32>} : memref<256xi32, #tpu.memory_space<vmem>>, vector<16xi32>,
      %swap3A_49 = vector.shape_cast %swap3A_48 : vector<16xi32> to vector<16xi32>
      %swap3A_50 = vector.shape_cast %get3A_46 : vector<16xi32> to vector<16xi32>
      tpu.vector_store %arg7[%swap3A_47], %swap3A_50 {strides = array<i32>} : memref<256xi32, #tpu.memory_space<vmem>>, vector<16xi32>,
      %get3A_51 = arith.constant 1 : i32
      %get3A_52 = arith.index_cast %get3A_51 : i32 to index
      %get3A_53 = arith.constant 32 : index
      %get3A_54 = tpu.vector_load %arg6[%get3A_52, %get3A_53] {strides = array<i32>} : memref<2x256xi32, #tpu.memory_space<vmem>>, vector<1x16xi32>,
      %get3A_55 = vector.shape_cast %get3A_54 : vector<1x16xi32> to vector<16xi32>
      %swap3A_56 = arith.constant 32 : index
      %swap3A_57 = tpu.vector_load %arg8[%swap3A_56] {strides = array<i32>} : memref<256xi32, #tpu.memory_space<vmem>>, vector<16xi32>,
      %swap3A_58 = vector.shape_cast %swap3A_57 : vector<16xi32> to vector<16xi32>
      %swap3A_59 = vector.shape_cast %get3A_55 : vector<16xi32> to vector<16xi32>
      tpu.vector_store %arg8[%swap3A_56], %swap3A_59 {strides = array<i32>} : memref<256xi32, #tpu.memory_space<vmem>>, vector<16xi32>,
      %get3A_60 = arith.constant 0 : i32
      %get3A_61 = arith.index_cast %get3A_60 : i32 to index
      %get3A_62 = arith.constant 48 : index
      %get3A_63 = tpu.vector_load %arg6[%get3A_61, %get3A_62] {strides = array<i32>} : memref<2x256xi32, #tpu.memory_space<vmem>>, vector<1x16xi32>,
      %get3A_64 = vector.shape_cast %get3A_63 : vector<1x16xi32> to vector<16xi32>
      %swap3A_65 = arith.constant 48 : index
      %swap3A_66 = tpu.vector_load %arg7[%swap3A_65] {strides = array<i32>} : memref<256xi32, #tpu.memory_space<vmem>>, vector<16xi32>,
      %swap3A_67 = vector.shape_cast %swap3A_66 : vector<16xi32> to vector<16xi32>
      %swap3A_68 = vector.shape_cast %get3A_64 : vector<16xi32> to vector<16xi32>
      tpu.vector_store %arg7[%swap3A_65], %swap3A_68 {strides = array<i32>} : memref<256xi32, #tpu.memory_space<vmem>>, vector<16xi32>,
      %get3A_69 = arith.constant 1 : i32
      %get3A_70 = arith.index_cast %get3A_69 : i32 to index
      %get3A_71 = arith.constant 48 : index
      %get3A_72 = tpu.vector_load %arg6[%get3A_70, %get3A_71] {strides = array<i32>} : memref<2x256xi32, #tpu.memory_space<vmem>>, vector<1x16xi32>,
      %get3A_73 = vector.shape_cast %get3A_72 : vector<1x16xi32> to vector<16xi32>
      %swap3A_74 = arith.constant 48 : index
      %swap3A_75 = tpu.vector_load %arg8[%swap3A_74] {strides = array<i32>} : memref<256xi32, #tpu.memory_space<vmem>>, vector<16xi32>,
      %swap3A_76 = vector.shape_cast %swap3A_75 : vector<16xi32> to vector<16xi32>
      %swap3A_77 = vector.shape_cast %get3A_73 : vector<16xi32> to vector<16xi32>
      tpu.vector_store %arg8[%swap3A_74], %swap3A_77 {strides = array<i32>} : memref<256xi32, #tpu.memory_space<vmem>>, vector<16xi32>,
      %get3A_78 = arith.constant 0 : i32
      %get3A_79 = arith.index_cast %get3A_78 : i32 to index
      %get3A_80 = arith.constant 64 : index
      %get3A_81 = tpu.vector_load %arg6[%get3A_79, %get3A_80] {strides = array<i32>} : memref<2x256xi32, #tpu.memory_space<vmem>>, vector<1x16xi32>,
      %get3A_82 = vector.shape_cast %get3A_81 : vector<1x16xi32> to vector<16xi32>
      %swap3A_83 = arith.constant 64 : index
      %swap3A_84 = tpu.vector_load %arg7[%swap3A_83] {strides = array<i32>} : memref<256xi32, #tpu.memory_space<vmem>>, vector<16xi32>,
      %swap3A_85 = vector.shape_cast %swap3A_84 : vector<16xi32> to vector<16xi32>
      %swap3A_86 = vector.shape_cast %get3A_82 : vector<16xi32> to vector<16xi32>
      tpu.vector_store %arg7[%swap3A_83], %swap3A_86 {strides = array<i32>} : memref<256xi32, #tpu.memory_space<vmem>>, vector<16xi32>,
      %get3A_87 = arith.constant 1 : i32
      %get3A_88 = arith.index_cast %get3A_87 : i32 to index
      %get3A_89 = arith.constant 64 : index
      %get3A_90 = tpu.vector_load %arg6[%get3A_88, %get3A_89] {strides = array<i32>} : memref<2x256xi32, #tpu.memory_space<vmem>>, vector<1x16xi32>,
      %get3A_91 = vector.shape_cast %get3A_90 : vector<1x16xi32> to vector<16xi32>
      %swap3A_92 = arith.constant 64 : index
      %swap3A_93 = tpu.vector_load %arg8[%swap3A_92] {strides = array<i32>} : memref<256xi32, #tpu.memory_space<vmem>>, vector<16xi32>,
      %swap3A_94 = vector.shape_cast %swap3A_93 : vector<16xi32> to vector<16xi32>
      %swap3A_95 = vector.shape_cast %get3A_91 : vector<16xi32> to vector<16xi32>
      tpu.vector_store %arg8[%swap3A_92], %swap3A_95 {strides = array<i32>} : memref<256xi32, #tpu.memory_space<vmem>>, vector<16xi32>,
      %get3A_96 = arith.constant 0 : i32
      %get3A_97 = arith.index_cast %get3A_96 : i32 to index
      %get3A_98 = arith.constant 80 : index
      %get3A_99 = tpu.vector_load %arg6[%get3A_97, %get3A_98] {strides = array<i32>} : memref<2x256xi32, #tpu.memory_space<vmem>>, vector<1x16xi32>,
      %get3A_100 = vector.shape_cast %get3A_99 : vector<1x16xi32> to vector<16xi32>
      %swap3A_101 = arith.constant 80 : index
      %swap3A_102 = tpu.vector_load %arg7[%swap3A_101] {strides = array<i32>} : memref<256xi32, #tpu.memory_space<vmem>>, vector<16xi32>,
      %swap3A_103 = vector.shape_cast %swap3A_102 : vector<16xi32> to vector<16xi32>
      %swap3A_104 = vector.shape_cast %get3A_100 : vector<16xi32> to vector<16xi32>
      tpu.vector_store %arg7[%swap3A_101], %swap3A_104 {strides = array<i32>} : memref<256xi32, #tpu.memory_space<vmem>>, vector<16xi32>,
      %get3A_105 = arith.constant 1 : i32
      %get3A_106 = arith.index_cast %get3A_105 : i32 to index
      %get3A_107 = arith.constant 80 : index
      %get3A_108 = tpu.vector_load %arg6[%get3A_106, %get3A_107] {strides = array<i32>} : memref<2x256xi32, #tpu.memory_space<vmem>>, vector<1x16xi32>,
      %get3A_109 = vector.shape_cast %get3A_108 : vector<1x16xi32> to vector<16xi32>
      %swap3A_110 = arith.constant 80 : index
      %swap3A_111 = tpu.vector_load %arg8[%swap3A_110] {strides = array<i32>} : memref<256xi32, #tpu.memory_space<vmem>>, vector<16xi32>,
      %swap3A_112 = vector.shape_cast %swap3A_111 : vector<16xi32> to vector<16xi32>
      %swap3A_113 = vector.shape_cast %get3A_109 : vector<16xi32> to vector<16xi32>
      tpu.vector_store %arg8[%swap3A_110], %swap3A_113 {strides = array<i32>} : memref<256xi32, #tpu.memory_space<vmem>>, vector<16xi32>,
      %get3A_114 = arith.constant 0 : i32
      %get3A_115 = arith.index_cast %get3A_114 : i32 to index
      %get3A_116 = arith.constant 96 : index
      %get3A_117 = tpu.vector_load %arg6[%get3A_115, %get3A_116] {strides = array<i32>} : memref<2x256xi32, #tpu.memory_space<vmem>>, vector<1x16xi32>,
      %get3A_118 = vector.shape_cast %get3A_117 : vector<1x16xi32> to vector<16xi32>
      %swap3A_119 = arith.constant 96 : index
      %swap3A_120 = tpu.vector_load %arg7[%swap3A_119] {strides = array<i32>} : memref<256xi32, #tpu.memory_space<vmem>>, vector<16xi32>,
      %swap3A_121 = vector.shape_cast %swap3A_120 : vector<16xi32> to vector<16xi32>
      %swap3A_122 = vector.shape_cast %get3A_118 : vector<16xi32> to vector<16xi32>
      tpu.vector_store %arg7[%swap3A_119], %swap3A_122 {strides = array<i32>} : memref<256xi32, #tpu.memory_space<vmem>>, vector<16xi32>,
      %get3A_123 = arith.constant 1 : i32
      %get3A_124 = arith.index_cast %get3A_123 : i32 to index
      %get3A_125 = arith.constant 96 : index
      %get3A_126 = tpu.vector_load %arg6[%get3A_124, %get3A_125] {strides = array<i32>} : memref<2x256xi32, #tpu.memory_space<vmem>>, vector<1x16xi32>,
      %get3A_127 = vector.shape_cast %get3A_126 : vector<1x16xi32> to vector<16xi32>
      %swap3A_128 = arith.constant 96 : index
      %swap3A_129 = tpu.vector_load %arg8[%swap3A_128] {strides = array<i32>} : memref<256xi32, #tpu.memory_space<vmem>>, vector<16xi32>,
      %swap3A_130 = vector.shape_cast %swap3A_129 : vector<16xi32> to vector<16xi32>
      %swap3A_131 = vector.shape_cast %get3A_127 : vector<16xi32> to vector<16xi32>
      tpu.vector_store %arg8[%swap3A_128], %swap3A_131 {strides = array<i32>} : memref<256xi32, #tpu.memory_space<vmem>>, vector<16xi32>,
      %get3A_132 = arith.constant 0 : i32
      %get3A_133 = arith.index_cast %get3A_132 : i32 to index
      %get3A_134 = arith.constant 112 : index
      %get3A_135 = tpu.vector_load %arg6[%get3A_133, %get3A_134] {strides = array<i32>} : memref<2x256xi32, #tpu.memory_space<vmem>>, vector<1x16xi32>,
      %get3A_136 = vector.shape_cast %get3A_135 : vector<1x16xi32> to vector<16xi32>
      %swap3A_137 = arith.constant 112 : index
      %swap3A_138 = tpu.vector_load %arg7[%swap3A_137] {strides = array<i32>} : memref<256xi32, #tpu.memory_space<vmem>>, vector<16xi32>,
      %swap3A_139 = vector.shape_cast %swap3A_138 : vector<16xi32> to vector<16xi32>
      %swap3A_140 = vector.shape_cast %get3A_136 : vector<16xi32> to vector<16xi32>
      tpu.vector_store %arg7[%swap3A_137], %swap3A_140 {strides = array<i32>} : memref<256xi32, #tpu.memory_space<vmem>>, vector<16xi32>,
      %get3A_141 = arith.constant 1 : i32
      %get3A_142 = arith.index_cast %get3A_141 : i32 to index
      %get3A_143 = arith.constant 112 : index
      %get3A_144 = tpu.vector_load %arg6[%get3A_142, %get3A_143] {strides = array<i32>} : memref<2x256xi32, #tpu.memory_space<vmem>>, vector<1x16xi32>,
      %get3A_145 = vector.shape_cast %get3A_144 : vector<1x16xi32> to vector<16xi32>
      %swap3A_146 = arith.constant 112 : index
      %swap3A_147 = tpu.vector_load %arg8[%swap3A_146] {strides = array<i32>} : memref<256xi32, #tpu.memory_space<vmem>>, vector<16xi32>,
      %swap3A_148 = vector.shape_cast %swap3A_147 : vector<16xi32> to vector<16xi32>
      %swap3A_149 = vector.shape_cast %get3A_145 : vector<16xi32> to vector<16xi32>
      tpu.vector_store %arg8[%swap3A_146], %swap3A_149 {strides = array<i32>} : memref<256xi32, #tpu.memory_space<vmem>>, vector<16xi32>,
      %get3A_150 = arith.constant 0 : i32
      %get3A_151 = arith.index_cast %get3A_150 : i32 to index
      %get3A_152 = arith.constant 128 : index
      %get3A_153 = tpu.vector_load %arg6[%get3A_151, %get3A_152] {strides = array<i32>} : memref<2x256xi32, #tpu.memory_space<vmem>>, vector<1x16xi32>,
      %get3A_154 = vector.shape_cast %get3A_153 : vector<1x16xi32> to vector<16xi32>
      %swap3A_155 = arith.constant 128 : index
      %swap3A_156 = tpu.vector_load %arg7[%swap3A_155] {strides = array<i32>} : memref<256xi32, #tpu.memory_space<vmem>>, vector<16xi32>,
      %swap3A_157 = vector.shape_cast %swap3A_156 : vector<16xi32> to vector<16xi32>
      %swap3A_158 = vector.shape_cast %get3A_154 : vector<16xi32> to vector<16xi32>
      tpu.vector_store %arg7[%swap3A_155], %swap3A_158 {strides = array<i32>} : memref<256xi32, #tpu.memory_space<vmem>>, vector<16xi32>,
      %get3A_159 = arith.constant 1 : i32
      %get3A_160 = arith.index_cast %get3A_159 : i32 to index
      %get3A_161 = arith.constant 128 : index
      %get3A_162 = tpu.vector_load %arg6[%get3A_160, %get3A_161] {strides = array<i32>} : memref<2x256xi32, #tpu.memory_space<vmem>>, vector<1x16xi32>,
      %get3A_163 = vector.shape_cast %get3A_162 : vector<1x16xi32> to vector<16xi32>
      %swap3A_164 = arith.constant 128 : index
      %swap3A_165 = tpu.vector_load %arg8[%swap3A_164] {strides = array<i32>} : memref<256xi32, #tpu.memory_space<vmem>>, vector<16xi32>,
      %swap3A_166 = vector.shape_cast %swap3A_165 : vector<16xi32> to vector<16xi32>
      %swap3A_167 = vector.shape_cast %get3A_163 : vector<16xi32> to vector<16xi32>
      tpu.vector_store %arg8[%swap3A_164], %swap3A_167 {strides = array<i32>} : memref<256xi32, #tpu.memory_space<vmem>>, vector<16xi32>,
      %get3A_168 = arith.constant 0 : i32
      %get3A_169 = arith.index_cast %get3A_168 : i32 to index
      %get3A_170 = arith.constant 144 : index
      %get3A_171 = tpu.vector_load %arg6[%get3A_169, %get3A_170] {strides = array<i32>} : memref<2x256xi32, #tpu.memory_space<vmem>>, vector<1x16xi32>,
      %get3A_172 = vector.shape_cast %get3A_171 : vector<1x16xi32> to vector<16xi32>
      %swap3A_173 = arith.constant 144 : index
      %swap3A_174 = tpu.vector_load %arg7[%swap3A_173] {strides = array<i32>} : memref<256xi32, #tpu.memory_space<vmem>>, vector<16xi32>,
      %swap3A_175 = vector.shape_cast %swap3A_174 : vector<16xi32> to vector<16xi32>
      %swap3A_176 = vector.shape_cast %get3A_172 : vector<16xi32> to vector<16xi32>
      tpu.vector_store %arg7[%swap3A_173], %swap3A_176 {strides = array<i32>} : memref<256xi32, #tpu.memory_space<vmem>>, vector<16xi32>,
      %get3A_177 = arith.constant 1 : i32
      %get3A_178 = arith.index_cast %get3A_177 : i32 to index
      %get3A_179 = arith.constant 144 : index
      %get3A_180 = tpu.vector_load %arg6[%get3A_178, %get3A_179] {strides = array<i32>} : memref<2x256xi32, #tpu.memory_space<vmem>>, vector<1x16xi32>,
      %get3A_181 = vector.shape_cast %get3A_180 : vector<1x16xi32> to vector<16xi32>
      %swap3A_182 = arith.constant 144 : index
      %swap3A_183 = tpu.vector_load %arg8[%swap3A_182] {strides = array<i32>} : memref<256xi32, #tpu.memory_space<vmem>>, vector<16xi32>,
      %swap3A_184 = vector.shape_cast %swap3A_183 : vector<16xi32> to vector<16xi32>
      %swap3A_185 = vector.shape_cast %get3A_181 : vector<16xi32> to vector<16xi32>
      tpu.vector_store %arg8[%swap3A_182], %swap3A_185 {strides = array<i32>} : memref<256xi32, #tpu.memory_space<vmem>>, vector<16xi32>,
      %get3A_186 = arith.constant 0 : i32
      %get3A_187 = arith.index_cast %get3A_186 : i32 to index
      %get3A_188 = arith.constant 160 : index
      %get3A_189 = tpu.vector_load %arg6[%get3A_187, %get3A_188] {strides = array<i32>} : memref<2x256xi32, #tpu.memory_space<vmem>>, vector<1x16xi32>,
      %get3A_190 = vector.shape_cast %get3A_189 : vector<1x16xi32> to vector<16xi32>
      %swap3A_191 = arith.constant 160 : index
      %swap3A_192 = tpu.vector_load %arg7[%swap3A_191] {strides = array<i32>} : memref<256xi32, #tpu.memory_space<vmem>>, vector<16xi32>,
      %swap3A_193 = vector.shape_cast %swap3A_192 : vector<16xi32> to vector<16xi32>
      %swap3A_194 = vector.shape_cast %get3A_190 : vector<16xi32> to vector<16xi32>
      tpu.vector_store %arg7[%swap3A_191], %swap3A_194 {strides = array<i32>} : memref<256xi32, #tpu.memory_space<vmem>>, vector<16xi32>,
      %get3A_195 = arith.constant 1 : i32
      %get3A_196 = arith.index_cast %get3A_195 : i32 to index
      %get3A_197 = arith.constant 160 : index
      %get3A_198 = tpu.vector_load %arg6[%get3A_196, %get3A_197] {strides = array<i32>} : memref<2x256xi32, #tpu.memory_space<vmem>>, vector<1x16xi32>,
      %get3A_199 = vector.shape_cast %get3A_198 : vector<1x16xi32> to vector<16xi32>
      %swap3A_200 = arith.constant 160 : index
      %swap3A_201 = tpu.vector_load %arg8[%swap3A_200] {strides = array<i32>} : memref<256xi32, #tpu.memory_space<vmem>>, vector<16xi32>,
      %swap3A_202 = vector.shape_cast %swap3A_201 : vector<16xi32> to vector<16xi32>
      %swap3A_203 = vector.shape_cast %get3A_199 : vector<16xi32> to vector<16xi32>
      tpu.vector_store %arg8[%swap3A_200], %swap3A_203 {strides = array<i32>} : memref<256xi32, #tpu.memory_space<vmem>>, vector<16xi32>,
      %get3A_204 = arith.constant 0 : i32
      %get3A_205 = arith.index_cast %get3A_204 : i32 to index
      %get3A_206 = arith.constant 176 : index
      %get3A_207 = tpu.vector_load %arg6[%get3A_205, %get3A_206] {strides = array<i32>} : memref<2x256xi32, #tpu.memory_space<vmem>>, vector<1x16xi32>,
      %get3A_208 = vector.shape_cast %get3A_207 : vector<1x16xi32> to vector<16xi32>
      %swap3A_209 = arith.constant 176 : index
      %swap3A_210 = tpu.vector_load %arg7[%swap3A_209] {strides = array<i32>} : memref<256xi32, #tpu.memory_space<vmem>>, vector<16xi32>,
      %swap3A_211 = vector.shape_cast %swap3A_210 : vector<16xi32> to vector<16xi32>
      %swap3A_212 = vector.shape_cast %get3A_208 : vector<16xi32> to vector<16xi32>
      tpu.vector_store %arg7[%swap3A_209], %swap3A_212 {strides = array<i32>} : memref<256xi32, #tpu.memory_space<vmem>>, vector<16xi32>,
      %get3A_213 = arith.constant 1 : i32
      %get3A_214 = arith.index_cast %get3A_213 : i32 to index
      %get3A_215 = arith.constant 176 : index
      %get3A_216 = tpu.vector_load %arg6[%get3A_214, %get3A_215] {strides = array<i32>} : memref<2x256xi32, #tpu.memory_space<vmem>>, vector<1x16xi32>,
      %get3A_217 = vector.shape_cast %get3A_216 : vector<1x16xi32> to vector<16xi32>
      %swap3A_218 = arith.constant 176 : index
      %swap3A_219 = tpu.vector_load %arg8[%swap3A_218] {strides = array<i32>} : memref<256xi32, #tpu.memory_space<vmem>>, vector<16xi32>,
      %swap3A_220 = vector.shape_cast %swap3A_219 : vector<16xi32> to vector<16xi32>
      %swap3A_221 = vector.shape_cast %get3A_217 : vector<16xi32> to vector<16xi32>
      tpu.vector_store %arg8[%swap3A_218], %swap3A_221 {strides = array<i32>} : memref<256xi32, #tpu.memory_space<vmem>>, vector<16xi32>,
      %get3A_222 = arith.constant 0 : i32
      %get3A_223 = arith.index_cast %get3A_222 : i32 to index
      %get3A_224 = arith.constant 192 : index
      %get3A_225 = tpu.vector_load %arg6[%get3A_223, %get3A_224] {strides = array<i32>} : memref<2x256xi32, #tpu.memory_space<vmem>>, vector<1x16xi32>,
      %get3A_226 = vector.shape_cast %get3A_225 : vector<1x16xi32> to vector<16xi32>
      %swap3A_227 = arith.constant 192 : index
      %swap3A_228 = tpu.vector_load %arg7[%swap3A_227] {strides = array<i32>} : memref<256xi32, #tpu.memory_space<vmem>>, vector<16xi32>,
      %swap3A_229 = vector.shape_cast %swap3A_228 : vector<16xi32> to vector<16xi32>
      %swap3A_230 = vector.shape_cast %get3A_226 : vector<16xi32> to vector<16xi32>
      tpu.vector_store %arg7[%swap3A_227], %swap3A_230 {strides = array<i32>} : memref<256xi32, #tpu.memory_space<vmem>>, vector<16xi32>,
      %get3A_231 = arith.constant 1 : i32
      %get3A_232 = arith.index_cast %get3A_231 : i32 to index
      %get3A_233 = arith.constant 192 : index
      %get3A_234 = tpu.vector_load %arg6[%get3A_232, %get3A_233] {strides = array<i32>} : memref<2x256xi32, #tpu.memory_space<vmem>>, vector<1x16xi32>,
      %get3A_235 = vector.shape_cast %get3A_234 : vector<1x16xi32> to vector<16xi32>
      %swap3A_236 = arith.constant 192 : index
      %swap3A_237 = tpu.vector_load %arg8[%swap3A_236] {strides = array<i32>} : memref<256xi32, #tpu.memory_space<vmem>>, vector<16xi32>,
      %swap3A_238 = vector.shape_cast %swap3A_237 : vector<16xi32> to vector<16xi32>
      %swap3A_239 = vector.shape_cast %get3A_235 : vector<16xi32> to vector<16xi32>
      tpu.vector_store %arg8[%swap3A_236], %swap3A_239 {strides = array<i32>} : memref<256xi32, #tpu.memory_space<vmem>>, vector<16xi32>,
      %get3A_240 = arith.constant 0 : i32
      %get3A_241 = arith.index_cast %get3A_240 : i32 to index
      %get3A_242 = arith.constant 208 : index
      %get3A_243 = tpu.vector_load %arg6[%get3A_241, %get3A_242] {strides = array<i32>} : memref<2x256xi32, #tpu.memory_space<vmem>>, vector<1x16xi32>,
      %get3A_244 = vector.shape_cast %get3A_243 : vector<1x16xi32> to vector<16xi32>
      %swap3A_245 = arith.constant 208 : index
      %swap3A_246 = tpu.vector_load %arg7[%swap3A_245] {strides = array<i32>} : memref<256xi32, #tpu.memory_space<vmem>>, vector<16xi32>,
      %swap3A_247 = vector.shape_cast %swap3A_246 : vector<16xi32> to vector<16xi32>
      %swap3A_248 = vector.shape_cast %get3A_244 : vector<16xi32> to vector<16xi32>
      tpu.vector_store %arg7[%swap3A_245], %swap3A_248 {strides = array<i32>} : memref<256xi32, #tpu.memory_space<vmem>>, vector<16xi32>,
      %get3A_249 = arith.constant 1 : i32
      %get3A_250 = arith.index_cast %get3A_249 : i32 to index
      %get3A_251 = arith.constant 208 : index
      %get3A_252 = tpu.vector_load %arg6[%get3A_250, %get3A_251] {strides = array<i32>} : memref<2x256xi32, #tpu.memory_space<vmem>>, vector<1x16xi32>,
      %get3A_253 = vector.shape_cast %get3A_252 : vector<1x16xi32> to vector<16xi32>
      %swap3A_254 = arith.constant 208 : index
      %swap3A_255 = tpu.vector_load %arg8[%swap3A_254] {strides = array<i32>} : memref<256xi32, #tpu.memory_space<vmem>>, vector<16xi32>,
      %swap3A_256 = vector.shape_cast %swap3A_255 : vector<16xi32> to vector<16xi32>
      %swap3A_257 = vector.shape_cast %get3A_253 : vector<16xi32> to vector<16xi32>
      tpu.vector_store %arg8[%swap3A_254], %swap3A_257 {strides = array<i32>} : memref<256xi32, #tpu.memory_space<vmem>>, vector<16xi32>,
      %get3A_258 = arith.constant 0 : i32
      %get3A_259 = arith.index_cast %get3A_258 : i32 to index
      %get3A_260 = arith.constant 224 : index
      %get3A_261 = tpu.vector_load %arg6[%get3A_259, %get3A_260] {strides = array<i32>} : memref<2x256xi32, #tpu.memory_space<vmem>>, vector<1x16xi32>,
      %get3A_262 = vector.shape_cast %get3A_261 : vector<1x16xi32> to vector<16xi32>
      %swap3A_263 = arith.constant 224 : index
      %swap3A_264 = tpu.vector_load %arg7[%swap3A_263] {strides = array<i32>} : memref<256xi32, #tpu.memory_space<vmem>>, vector<16xi32>,
      %swap3A_265 = vector.shape_cast %swap3A_264 : vector<16xi32> to vector<16xi32>
      %swap3A_266 = vector.shape_cast %get3A_262 : vector<16xi32> to vector<16xi32>
      tpu.vector_store %arg7[%swap3A_263], %swap3A_266 {strides = array<i32>} : memref<256xi32, #tpu.memory_space<vmem>>, vector<16xi32>,
      %get3A_267 = arith.constant 1 : i32
      %get3A_268 = arith.index_cast %get3A_267 : i32 to index
      %get3A_269 = arith.constant 224 : index
      %get3A_270 = tpu.vector_load %arg6[%get3A_268, %get3A_269] {strides = array<i32>} : memref<2x256xi32, #tpu.memory_space<vmem>>, vector<1x16xi32>,
      %get3A_271 = vector.shape_cast %get3A_270 : vector<1x16xi32> to vector<16xi32>
      %swap3A_272 = arith.constant 224 : index
      %swap3A_273 = tpu.vector_load %arg8[%swap3A_272] {strides = array<i32>} : memref<256xi32, #tpu.memory_space<vmem>>, vector<16xi32>,
      %swap3A_274 = vector.shape_cast %swap3A_273 : vector<16xi32> to vector<16xi32>
      %swap3A_275 = vector.shape_cast %get3A_271 : vector<16xi32> to vector<16xi32>
      tpu.vector_store %arg8[%swap3A_272], %swap3A_275 {strides = array<i32>} : memref<256xi32, #tpu.memory_space<vmem>>, vector<16xi32>,
      %get3A_276 = arith.constant 0 : i32
      %get3A_277 = arith.index_cast %get3A_276 : i32 to index
      %get3A_278 = arith.constant 240 : index
      %get3A_279 = tpu.vector_load %arg6[%get3A_277, %get3A_278] {strides = array<i32>} : memref<2x256xi32, #tpu.memory_space<vmem>>, vector<1x16xi32>,
      %get3A_280 = vector.shape_cast %get3A_279 : vector<1x16xi32> to vector<16xi32>
      %swap3A_281 = arith.constant 240 : index
      %swap3A_282 = tpu.vector_load %arg7[%swap3A_281] {strides = array<i32>} : memref<256xi32, #tpu.memory_space<vmem>>, vector<16xi32>,
      %swap3A_283 = vector.shape_cast %swap3A_282 : vector<16xi32> to vector<16xi32>
      %swap3A_284 = vector.shape_cast %get3A_280 : vector<16xi32> to vector<16xi32>
      tpu.vector_store %arg7[%swap3A_281], %swap3A_284 {strides = array<i32>} : memref<256xi32, #tpu.memory_space<vmem>>, vector<16xi32>,
      %get3A_285 = arith.constant 1 : i32
      %get3A_286 = arith.index_cast %get3A_285 : i32 to index
      %get3A_287 = arith.constant 240 : index
      %get3A_288 = tpu.vector_load %arg6[%get3A_286, %get3A_287] {strides = array<i32>} : memref<2x256xi32, #tpu.memory_space<vmem>>, vector<1x16xi32>,
      %get3A_289 = vector.shape_cast %get3A_288 : vector<1x16xi32> to vector<16xi32>
      %swap3A_290 = arith.constant 240 : index
      %swap3A_291 = tpu.vector_load %arg8[%swap3A_290] {strides = array<i32>} : memref<256xi32, #tpu.memory_space<vmem>>, vector<16xi32>,
      %swap3A_292 = vector.shape_cast %swap3A_291 : vector<16xi32> to vector<16xi32>
      %swap3A_293 = vector.shape_cast %get3A_289 : vector<16xi32> to vector<16xi32>
      tpu.vector_store %arg8[%swap3A_290], %swap3A_293 {strides = array<i32>} : memref<256xi32, #tpu.memory_space<vmem>>, vector<16xi32>,
      %dma_start3A = arith.constant 0 : i32
      %dma_start3A_294 = arith.constant 0 : i32
      %dma_start3A_295 = tpu.memref_slice %arg2[%dma_start3A, %dma_start3A_294] : memref<20480x128xf32, #tpu.memory_space<hbm>> -> memref<20480x128xf32, #tpu.memory_space<hbm>>
      tpu.enqueue_indirect_dma source(%dma_start3A_295 : memref<20480x128xf32, #tpu.memory_space<hbm>>) target(%arg9 : memref<256x128xf32, #tpu.memory_space<vmem>>) offsets(%arg7 : memref<256xi32, #tpu.memory_space<vmem>>) semaphore(%arg10 : memref<!tpu.dma_semaphore, #tpu.memory_space<semaphore_mem>>)
      %dma_wait3A = arith.constant 0 : i32
      %dma_wait3A_296 = arith.constant 0 : i32
      %dma_wait3A_297 = tpu.memref_slice %arg2[%dma_wait3A, %dma_wait3A_296] : memref<20480x128xf32, #tpu.memory_space<hbm>> -> memref<20480x128xf32, #tpu.memory_space<hbm>>
      tpu.wait_indirect_dma semaphore(%arg10 : memref<!tpu.dma_semaphore, #tpu.memory_space<semaphore_mem>>) src(%dma_wait3A_297 : memref<20480x128xf32, #tpu.memory_space<hbm>>) dst(%arg9 : memref<256x128xf32, #tpu.memory_space<vmem>>)
      "tpu.region"() ({
        %run_scoped3A = tpu.sem_alloc : memref<!tpu.dma_semaphore, #tpu.memory_space<semaphore_mem>>
        %dma_start3A_298 = arith.constant 0 : i32
        %dma_start3A_299 = arith.constant 0 : i32
        %dma_start3A_300 = tpu.memref_slice %arg11[%dma_start3A_298, %dma_start3A_299] : memref<10240x128xf32, #tpu.memory_space<vmem_shared>> -> memref<10240x128xf32, #tpu.memory_space<vmem_shared>>
        tpu.enqueue_indirect_dma source(%arg9 : memref<256x128xf32, #tpu.memory_space<vmem>>) target(%dma_start3A_300 : memref<10240x128xf32, #tpu.memory_space<vmem_shared>>) offsets(%arg8 : memref<256xi32, #tpu.memory_space<vmem>>) semaphore(%run_scoped3A : memref<!tpu.dma_semaphore, #tpu.memory_space<semaphore_mem>>) {add = true}
        %dma_wait3A_301 = arith.constant 0 : i32
        %dma_wait3A_302 = arith.constant 0 : i32
        %dma_wait3A_303 = tpu.memref_slice %arg11[%dma_wait3A_301, %dma_wait3A_302] : memref<10240x128xf32, #tpu.memory_space<vmem_shared>> -> memref<10240x128xf32, #tpu.memory_space<vmem_shared>>
        tpu.wait_indirect_dma semaphore(%run_scoped3A : memref<!tpu.dma_semaphore, #tpu.memory_space<semaphore_mem>>) src(%arg9 : memref<256x128xf32, #tpu.memory_space<vmem>>) dst(%dma_wait3A_303 : memref<10240x128xf32, #tpu.memory_space<vmem_shared>>)
        tpu.yield
      }) : () -> ()
    }
    %scan3A_5 = arith.constant 79 : i32
    %barrier3A_6 = arith.constant 0 : index
    tpu.barrier barrier_id(%barrier3A_6)
    "tpu.region"() ({
      %run_scoped3A = tpu.sem_alloc : memref<!tpu.dma_semaphore, #tpu.memory_space<semaphore_mem>>
      %dma_start3A = arith.constant 0 : i32
      %dma_start3A_7 = tpu.memref_slice %arg5[%arg0, %mul3A_0, %dma_start3A] : memref<2x10240x128xf32, #tpu.memory_space<hbm>> -> memref<1x640x128xf32, #tpu.memory_space<hbm>>
      %dma_start3A_8 = tpu.memref_squeeze %dma_start3A_7 : memref<1x640x128xf32, #tpu.memory_space<hbm>> -> memref<640x128xf32, #tpu.memory_space<hbm>>
      %dma_start3A_9 = arith.constant 0 : i32
      %dma_start3A_10 = tpu.memref_slice %arg11[%mul3A_0, %dma_start3A_9] : memref<10240x128xf32, #tpu.memory_space<vmem_shared>> -> memref<640x128xf32, #tpu.memory_space<vmem_shared>>
      tpu.enqueue_dma source(%dma_start3A_10 : memref<640x128xf32, #tpu.memory_space<vmem_shared>>) target(%dma_start3A_8 : memref<640x128xf32, #tpu.memory_space<hbm>>) target_semaphore(%run_scoped3A : memref<!tpu.dma_semaphore, #tpu.memory_space<semaphore_mem>>)
      %dma_wait3A = arith.constant 0 : i32
      %dma_wait3A_11 = tpu.memref_slice %arg5[%arg0, %mul3A_0, %dma_wait3A] : memref<2x10240x128xf32, #tpu.memory_space<hbm>> -> memref<1x640x128xf32, #tpu.memory_space<hbm>>
      %dma_wait3A_12 = tpu.memref_squeeze %dma_wait3A_11 : memref<1x640x128xf32, #tpu.memory_space<hbm>> -> memref<640x128xf32, #tpu.memory_space<hbm>>
      %dma_wait3A_13 = arith.constant 0 : i32
      %dma_wait3A_14 = tpu.memref_slice %arg11[%mul3A_0, %dma_wait3A_13] : memref<10240x128xf32, #tpu.memory_space<vmem_shared>> -> memref<640x128xf32, #tpu.memory_space<vmem_shared>>
      tpu.wait_dma2 semaphore(%run_scoped3A : memref<!tpu.dma_semaphore, #tpu.memory_space<semaphore_mem>>) src(%dma_wait3A_14 : memref<640x128xf32, #tpu.memory_space<vmem_shared>>) dst(%dma_wait3A_12 : memref<640x128xf32, #tpu.memory_space<hbm>>)
      tpu.yield
    }) : () -> ()
    return
  }
}

#map = affine_map<(d0, d1) -> (0, 0)>
#map1 = affine_map<(d0, d1) -> (0, 0, 0, 0, 0)>
#map2 = affine_map<(d0, d1) -> (0, 0, 0)>
module attributes {stable_mosaic.version = 14 : i64} {
  func.func @spmm_kernel(%arg0: i32, %arg1: i32, %arg2: memref<20480x128xf32, #tpu.memory_space<hbm>>, %arg3: memref<2x16x79x2x256xi32, #tpu.memory_space<hbm>>, %arg4: memref<10240x128xf32, #tpu.memory_space<hbm>>, %arg5: memref<2x10240x128xf32, #tpu.memory_space<hbm>>, %arg6: memref<2x256xi32, #tpu.memory_space<vmem>>, %arg7: memref<256xi32, #tpu.memory_space<vmem>>, %arg8: memref<256xi32, #tpu.memory_space<vmem>>, %arg9: memref<256x128xf32, #tpu.memory_space<vmem>>, %arg10: memref<!tpu.dma_semaphore, #tpu.memory_space<semaphore_mem>>, %arg11: memref<10240x128xf32, #tpu.memory_space<vmem_shared>>) attributes {dimension_semantics = [#tpu.dimension_semantics<core_parallel>, #tpu.dimension_semantics<subcore_parallel>], iteration_bounds = array<i64: 2, 16>, scalar_prefetch = 0 : i64, scratch_operands = 6 : i64, tpu.core_type = #tpu.core_type<sc_vector_subcore>, window_params = [{transform_indices = #map}, {transform_indices = #map1}, {transform_indices = #map}, {transform_indices = #map2}]} {
    %mul3A = arith.constant 640 : i32
    %mul3A_0 = arith.muli %arg1, %mul3A : i32
    "tpu.region"() ({
      %run_scoped3A = tpu.sem_alloc : memref<!tpu.dma_semaphore, #tpu.memory_space<semaphore_mem>>
      %dma_start3A = arith.constant 0 : i32
      %dma_start3A_7 = tpu.memref_slice %arg11[%mul3A_0, %dma_start3A] : memref<10240x128xf32, #tpu.memory_space<vmem_shared>> -> memref<640x128xf32, #tpu.memory_space<vmem_shared>>
      %dma_start3A_8 = arith.constant 0 : i32
      %dma_start3A_9 = tpu.memref_slice %arg4[%mul3A_0, %dma_start3A_8] : memref<10240x128xf32, #tpu.memory_space<hbm>> -> memref<640x128xf32, #tpu.memory_space<hbm>>
      tpu.enqueue_dma source(%dma_start3A_9 : memref<640x128xf32, #tpu.memory_space<hbm>>) target(%dma_start3A_7 : memref<640x128xf32, #tpu.memory_space<vmem_shared>>) target_semaphore(%run_scoped3A : memref<!tpu.dma_semaphore, #tpu.memory_space<semaphore_mem>>)
      %dma_wait3A = arith.constant 0 : i32
      %dma_wait3A_10 = tpu.memref_slice %arg11[%mul3A_0, %dma_wait3A] : memref<10240x128xf32, #tpu.memory_space<vmem_shared>> -> memref<640x128xf32, #tpu.memory_space<vmem_shared>>
      %dma_wait3A_11 = arith.constant 0 : i32
      %dma_wait3A_12 = tpu.memref_slice %arg4[%mul3A_0, %dma_wait3A_11] : memref<10240x128xf32, #tpu.memory_space<hbm>> -> memref<640x128xf32, #tpu.memory_space<hbm>>
      tpu.wait_dma2 semaphore(%run_scoped3A : memref<!tpu.dma_semaphore, #tpu.memory_space<semaphore_mem>>) src(%dma_wait3A_12 : memref<640x128xf32, #tpu.memory_space<hbm>>) dst(%dma_wait3A_10 : memref<640x128xf32, #tpu.memory_space<vmem_shared>>)
      tpu.yield
    }) : () -> ()
    %barrier3A = arith.constant 0 : index
    tpu.barrier barrier_id(%barrier3A)
    %scan3A = arith.constant 0 : i32
    %scan3A_1 = arith.constant 0 : i32
    %scan3A_2 = arith.constant 79 : i32
    %scan3A_3 = arith.addi %scan3A_1, %scan3A_2 : i32
    %scan3A_4 = arith.constant 1 : i32
    scf.for %scan3A_7 = %scan3A_1 to %scan3A_3 step %scan3A_4  : i32 {
      "tpu.region"() ({
        %run_scoped3A = tpu.sem_alloc : memref<!tpu.dma_semaphore, #tpu.memory_space<semaphore_mem>>
        %dma_start3A_298 = arith.constant 0 : i32
        %dma_start3A_299 = arith.constant 0 : i32
        %dma_start3A_300 = tpu.memref_slice %arg3[%arg0, %arg1, %scan3A_7, %dma_start3A_298, %dma_start3A_299] : memref<2x16x79x2x256xi32, #tpu.memory_space<hbm>> -> memref<1x1x1x2x256xi32, #tpu.memory_space<hbm>>
        %dma_start3A_301 = tpu.memref_squeeze %dma_start3A_300 : memref<1x1x1x2x256xi32, #tpu.memory_space<hbm>> -> memref<2x256xi32, #tpu.memory_space<hbm>>
        %dma_start3A_302 = arith.constant 0 : i32
        %dma_start3A_303 = arith.constant 0 : i32
        %dma_start3A_304 = tpu.memref_slice %arg3[%arg0, %arg1, %scan3A_7, %dma_start3A_302, %dma_start3A_303] : memref<2x16x79x2x256xi32, #tpu.memory_space<hbm>> -> memref<1x1x1x2x256xi32, #tpu.memory_space<hbm>>
        %dma_start3A_305 = tpu.memref_squeeze %dma_start3A_304 : memref<1x1x1x2x256xi32, #tpu.memory_space<hbm>> -> memref<2x256xi32, #tpu.memory_space<hbm>>
        tpu.enqueue_dma source(%dma_start3A_305 : memref<2x256xi32, #tpu.memory_space<hbm>>) target(%arg6 : memref<2x256xi32, #tpu.memory_space<vmem>>) target_semaphore(%run_scoped3A : memref<!tpu.dma_semaphore, #tpu.memory_space<semaphore_mem>>)
        %dma_wait3A_306 = arith.constant 0 : i32
        %dma_wait3A_307 = arith.constant 0 : i32
        %dma_wait3A_308 = tpu.memref_slice %arg3[%arg0, %arg1, %scan3A_7, %dma_wait3A_306, %dma_wait3A_307] : memref<2x16x79x2x256xi32, #tpu.memory_space<hbm>> -> memref<1x1x1x2x256xi32, #tpu.memory_space<hbm>>
        %dma_wait3A_309 = tpu.memref_squeeze %dma_wait3A_308 : memref<1x1x1x2x256xi32, #tpu.memory_space<hbm>> -> memref<2x256xi32, #tpu.memory_space<hbm>>
        %dma_wait3A_310 = arith.constant 0 : i32
        %dma_wait3A_311 = arith.constant 0 : i32
        %dma_wait3A_312 = tpu.memref_slice %arg3[%arg0, %arg1, %scan3A_7, %dma_wait3A_310, %dma_wait3A_311] : memref<2x16x79x2x256xi32, #tpu.memory_space<hbm>> -> memref<1x1x1x2x256xi32, #tpu.memory_space<hbm>>
        %dma_wait3A_313 = tpu.memref_squeeze %dma_wait3A_312 : memref<1x1x1x2x256xi32, #tpu.memory_space<hbm>> -> memref<2x256xi32, #tpu.memory_space<hbm>>
        tpu.wait_dma2 semaphore(%run_scoped3A : memref<!tpu.dma_semaphore, #tpu.memory_space<semaphore_mem>>) src(%dma_wait3A_313 : memref<2x256xi32, #tpu.memory_space<hbm>>) dst(%arg6 : memref<2x256xi32, #tpu.memory_space<vmem>>)
        tpu.yield
      }) : () -> ()
      %get3A = arith.constant 0 : i32
      %get3A_8 = arith.index_cast %get3A : i32 to index
      %get3A_9 = arith.constant 0 : index
      %get3A_10 = tpu.vector_load %arg6[%get3A_8, %get3A_9] {strides = array<i32>} : memref<2x256xi32, #tpu.memory_space<vmem>>, vector<1x16xi32>,
      %get3A_11 = vector.shape_cast %get3A_10 : vector<1x16xi32> to vector<16xi32>
      %swap3A = arith.constant 0 : index
      %swap3A_12 = tpu.vector_load %arg7[%swap3A] {strides = array<i32>} : memref<256xi32, #tpu.memory_space<vmem>>, vector<16xi32>,
      %swap3A_13 = vector.shape_cast %swap3A_12 : vector<16xi32> to vector<16xi32>
      %swap3A_14 = vector.shape_cast %get3A_11 : vector<16xi32> to vector<16xi32>
      tpu.vector_store %arg7[%swap3A], %swap3A_14 {strides = array<i32>} : memref<256xi32, #tpu.memory_space<vmem>>, vector<16xi32>,
      %get3A_15 = arith.constant 1 : i32
      %get3A_16 = arith.index_cast %get3A_15 : i32 to index
      %get3A_17 = arith.constant 0 : index
      %get3A_18 = tpu.vector_load %arg6[%get3A_16, %get3A_17] {strides = array<i32>} : memref<2x256xi32, #tpu.memory_space<vmem>>, vector<1x16xi32>,
      %get3A_19 = vector.shape_cast %get3A_18 : vector<1x16xi32> to vector<16xi32>
      %swap3A_20 = arith.constant 0 : index
      %swap3A_21 = tpu.vector_load %arg8[%swap3A_20] {strides = array<i32>} : memref<256xi32, #tpu.memory_space<vmem>>, vector<16xi32>,
      %swap3A_22 = vector.shape_cast %swap3A_21 : vector<16xi32> to vector<16xi32>
      %swap3A_23 = vector.shape_cast %get3A_19 : vector<16xi32> to vector<16xi32>
      tpu.vector_store %arg8[%swap3A_20], %swap3A_23 {strides = array<i32>} : memref<256xi32, #tpu.memory_space<vmem>>, vector<16xi32>,
      %get3A_24 = arith.constant 0 : i32
      %get3A_25 = arith.index_cast %get3A_24 : i32 to index
      %get3A_26 = arith.constant 16 : index
      %get3A_27 = tpu.vector_load %arg6[%get3A_25, %get3A_26] {strides = array<i32>} : memref<2x256xi32, #tpu.memory_space<vmem>>, vector<1x16xi32>,
      %get3A_28 = vector.shape_cast %get3A_27 : vector<1x16xi32> to vector<16xi32>
      %swap3A_29 = arith.constant 16 : index
      %swap3A_30 = tpu.vector_load %arg7[%swap3A_29] {strides = array<i32>} : memref<256xi32, #tpu.memory_space<vmem>>, vector<16xi32>,
      %swap3A_31 = vector.shape_cast %swap3A_30 : vector<16xi32> to vector<16xi32>
      %swap3A_32 = vector.shape_cast %get3A_28 : vector<16xi32> to vector<16xi32>
      tpu.vector_store %arg7[%swap3A_29], %swap3A_32 {strides = array<i32>} : memref<256xi32, #tpu.memory_space<vmem>>, vector<16xi32>,
      %get3A_33 = arith.constant 1 : i32
      %get3A_34 = arith.index_cast %get3A_33 : i32 to index
      %get3A_35 = arith.constant 16 : index
      %get3A_36 = tpu.vector_load %arg6[%get3A_34, %get3A_35] {strides = array<i32>} : memref<2x256xi32, #tpu.memory_space<vmem>>, vector<1x16xi32>,
      %get3A_37 = vector.shape_cast %get3A_36 : vector<1x16xi32> to vector<16xi32>
      %swap3A_38 = arith.constant 16 : index
      %swap3A_39 = tpu.vector_load %arg8[%swap3A_38] {strides = array<i32>} : memref<256xi32, #tpu.memory_space<vmem>>, vector<16xi32>,
      %swap3A_40 = vector.shape_cast %swap3A_39 : vector<16xi32> to vector<16xi32>
      %swap3A_41 = vector.shape_cast %get3A_37 : vector<16xi32> to vector<16xi32>
      tpu.vector_store %arg8[%swap3A_38], %swap3A_41 {strides = array<i32>} : memref<256xi32, #tpu.memory_space<vmem>>, vector<16xi32>,
      %get3A_42 = arith.constant 0 : i32
      %get3A_43 = arith.index_cast %get3A_42 : i32 to index
      %get3A_44 = arith.constant 32 : index
      %get3A_45 = tpu.vector_load %arg6[%get3A_43, %get3A_44] {strides = array<i32>} : memref<2x256xi32, #tpu.memory_space<vmem>>, vector<1x16xi32>,
      %get3A_46 = vector.shape_cast %get3A_45 : vector<1x16xi32> to vector<16xi32>
      %swap3A_47 = arith.constant 32 : index
      %swap3A_48 = tpu.vector_load %arg7[%swap3A_47] {strides = array<i32>} : memref<256xi32, #tpu.memory_space<vmem>>, vector<16xi32>,
      %swap3A_49 = vector.shape_cast %swap3A_48 : vector<16xi32> to vector<16xi32>
      %swap3A_50 = vector.shape_cast %get3A_46 : vector<16xi32> to vector<16xi32>
      tpu.vector_store %arg7[%swap3A_47], %swap3A_50 {strides = array<i32>} : memref<256xi32, #tpu.memory_space<vmem>>, vector<16xi32>,
      %get3A_51 = arith.constant 1 : i32
      %get3A_52 = arith.index_cast %get3A_51 : i32 to index
      %get3A_53 = arith.constant 32 : index
      %get3A_54 = tpu.vector_load %arg6[%get3A_52, %get3A_53] {strides = array<i32>} : memref<2x256xi32, #tpu.memory_space<vmem>>, vector<1x16xi32>,
      %get3A_55 = vector.shape_cast %get3A_54 : vector<1x16xi32> to vector<16xi32>
      %swap3A_56 = arith.constant 32 : index
      %swap3A_57 = tpu.vector_load %arg8[%swap3A_56] {strides = array<i32>} : memref<256xi32, #tpu.memory_space<vmem>>, vector<16xi32>,
      %swap3A_58 = vector.shape_cast %swap3A_57 : vector<16xi32> to vector<16xi32>
      %swap3A_59 = vector.shape_cast %get3A_55 : vector<16xi32> to vector<16xi32>
      tpu.vector_store %arg8[%swap3A_56], %swap3A_59 {strides = array<i32>} : memref<256xi32, #tpu.memory_space<vmem>>, vector<16xi32>,
      %get3A_60 = arith.constant 0 : i32
      %get3A_61 = arith.index_cast %get3A_60 : i32 to index
      %get3A_62 = arith.constant 48 : index
      %get3A_63 = tpu.vector_load %arg6[%get3A_61, %get3A_62] {strides = array<i32>} : memref<2x256xi32, #tpu.memory_space<vmem>>, vector<1x16xi32>,
      %get3A_64 = vector.shape_cast %get3A_63 : vector<1x16xi32> to vector<16xi32>
      %swap3A_65 = arith.constant 48 : index
      %swap3A_66 = tpu.vector_load %arg7[%swap3A_65] {strides = array<i32>} : memref<256xi32, #tpu.memory_space<vmem>>, vector<16xi32>,
      %swap3A_67 = vector.shape_cast %swap3A_66 : vector<16xi32> to vector<16xi32>
      %swap3A_68 = vector.shape_cast %get3A_64 : vector<16xi32> to vector<16xi32>
      tpu.vector_store %arg7[%swap3A_65], %swap3A_68 {strides = array<i32>} : memref<256xi32, #tpu.memory_space<vmem>>, vector<16xi32>,
      %get3A_69 = arith.constant 1 : i32
      %get3A_70 = arith.index_cast %get3A_69 : i32 to index
      %get3A_71 = arith.constant 48 : index
      %get3A_72 = tpu.vector_load %arg6[%get3A_70, %get3A_71] {strides = array<i32>} : memref<2x256xi32, #tpu.memory_space<vmem>>, vector<1x16xi32>,
      %get3A_73 = vector.shape_cast %get3A_72 : vector<1x16xi32> to vector<16xi32>
      %swap3A_74 = arith.constant 48 : index
      %swap3A_75 = tpu.vector_load %arg8[%swap3A_74] {strides = array<i32>} : memref<256xi32, #tpu.memory_space<vmem>>, vector<16xi32>,
      %swap3A_76 = vector.shape_cast %swap3A_75 : vector<16xi32> to vector<16xi32>
      %swap3A_77 = vector.shape_cast %get3A_73 : vector<16xi32> to vector<16xi32>
      tpu.vector_store %arg8[%swap3A_74], %swap3A_77 {strides = array<i32>} : memref<256xi32, #tpu.memory_space<vmem>>, vector<16xi32>,
      %get3A_78 = arith.constant 0 : i32
      %get3A_79 = arith.index_cast %get3A_78 : i32 to index
      %get3A_80 = arith.constant 64 : index
      %get3A_81 = tpu.vector_load %arg6[%get3A_79, %get3A_80] {strides = array<i32>} : memref<2x256xi32, #tpu.memory_space<vmem>>, vector<1x16xi32>,
      %get3A_82 = vector.shape_cast %get3A_81 : vector<1x16xi32> to vector<16xi32>
      %swap3A_83 = arith.constant 64 : index
      %swap3A_84 = tpu.vector_load %arg7[%swap3A_83] {strides = array<i32>} : memref<256xi32, #tpu.memory_space<vmem>>, vector<16xi32>,
      %swap3A_85 = vector.shape_cast %swap3A_84 : vector<16xi32> to vector<16xi32>
      %swap3A_86 = vector.shape_cast %get3A_82 : vector<16xi32> to vector<16xi32>
      tpu.vector_store %arg7[%swap3A_83], %swap3A_86 {strides = array<i32>} : memref<256xi32, #tpu.memory_space<vmem>>, vector<16xi32>,
      %get3A_87 = arith.constant 1 : i32
      %get3A_88 = arith.index_cast %get3A_87 : i32 to index
      %get3A_89 = arith.constant 64 : index
      %get3A_90 = tpu.vector_load %arg6[%get3A_88, %get3A_89] {strides = array<i32>} : memref<2x256xi32, #tpu.memory_space<vmem>>, vector<1x16xi32>,
      %get3A_91 = vector.shape_cast %get3A_90 : vector<1x16xi32> to vector<16xi32>
      %swap3A_92 = arith.constant 64 : index
      %swap3A_93 = tpu.vector_load %arg8[%swap3A_92] {strides = array<i32>} : memref<256xi32, #tpu.memory_space<vmem>>, vector<16xi32>,
      %swap3A_94 = vector.shape_cast %swap3A_93 : vector<16xi32> to vector<16xi32>
      %swap3A_95 = vector.shape_cast %get3A_91 : vector<16xi32> to vector<16xi32>
      tpu.vector_store %arg8[%swap3A_92], %swap3A_95 {strides = array<i32>} : memref<256xi32, #tpu.memory_space<vmem>>, vector<16xi32>,
      %get3A_96 = arith.constant 0 : i32
      %get3A_97 = arith.index_cast %get3A_96 : i32 to index
      %get3A_98 = arith.constant 80 : index
      %get3A_99 = tpu.vector_load %arg6[%get3A_97, %get3A_98] {strides = array<i32>} : memref<2x256xi32, #tpu.memory_space<vmem>>, vector<1x16xi32>,
      %get3A_100 = vector.shape_cast %get3A_99 : vector<1x16xi32> to vector<16xi32>
      %swap3A_101 = arith.constant 80 : index
      %swap3A_102 = tpu.vector_load %arg7[%swap3A_101] {strides = array<i32>} : memref<256xi32, #tpu.memory_space<vmem>>, vector<16xi32>,
      %swap3A_103 = vector.shape_cast %swap3A_102 : vector<16xi32> to vector<16xi32>
      %swap3A_104 = vector.shape_cast %get3A_100 : vector<16xi32> to vector<16xi32>
      tpu.vector_store %arg7[%swap3A_101], %swap3A_104 {strides = array<i32>} : memref<256xi32, #tpu.memory_space<vmem>>, vector<16xi32>,
      %get3A_105 = arith.constant 1 : i32
      %get3A_106 = arith.index_cast %get3A_105 : i32 to index
      %get3A_107 = arith.constant 80 : index
      %get3A_108 = tpu.vector_load %arg6[%get3A_106, %get3A_107] {strides = array<i32>} : memref<2x256xi32, #tpu.memory_space<vmem>>, vector<1x16xi32>,
      %get3A_109 = vector.shape_cast %get3A_108 : vector<1x16xi32> to vector<16xi32>
      %swap3A_110 = arith.constant 80 : index
      %swap3A_111 = tpu.vector_load %arg8[%swap3A_110] {strides = array<i32>} : memref<256xi32, #tpu.memory_space<vmem>>, vector<16xi32>,
      %swap3A_112 = vector.shape_cast %swap3A_111 : vector<16xi32> to vector<16xi32>
      %swap3A_113 = vector.shape_cast %get3A_109 : vector<16xi32> to vector<16xi32>
      tpu.vector_store %arg8[%swap3A_110], %swap3A_113 {strides = array<i32>} : memref<256xi32, #tpu.memory_space<vmem>>, vector<16xi32>,
      %get3A_114 = arith.constant 0 : i32
      %get3A_115 = arith.index_cast %get3A_114 : i32 to index
      %get3A_116 = arith.constant 96 : index
      %get3A_117 = tpu.vector_load %arg6[%get3A_115, %get3A_116] {strides = array<i32>} : memref<2x256xi32, #tpu.memory_space<vmem>>, vector<1x16xi32>,
      %get3A_118 = vector.shape_cast %get3A_117 : vector<1x16xi32> to vector<16xi32>
      %swap3A_119 = arith.constant 96 : index
      %swap3A_120 = tpu.vector_load %arg7[%swap3A_119] {strides = array<i32>} : memref<256xi32, #tpu.memory_space<vmem>>, vector<16xi32>,
      %swap3A_121 = vector.shape_cast %swap3A_120 : vector<16xi32> to vector<16xi32>
      %swap3A_122 = vector.shape_cast %get3A_118 : vector<16xi32> to vector<16xi32>
      tpu.vector_store %arg7[%swap3A_119], %swap3A_122 {strides = array<i32>} : memref<256xi32, #tpu.memory_space<vmem>>, vector<16xi32>,
      %get3A_123 = arith.constant 1 : i32
      %get3A_124 = arith.index_cast %get3A_123 : i32 to index
      %get3A_125 = arith.constant 96 : index
      %get3A_126 = tpu.vector_load %arg6[%get3A_124, %get3A_125] {strides = array<i32>} : memref<2x256xi32, #tpu.memory_space<vmem>>, vector<1x16xi32>,
      %get3A_127 = vector.shape_cast %get3A_126 : vector<1x16xi32> to vector<16xi32>
      %swap3A_128 = arith.constant 96 : index
      %swap3A_129 = tpu.vector_load %arg8[%swap3A_128] {strides = array<i32>} : memref<256xi32, #tpu.memory_space<vmem>>, vector<16xi32>,
      %swap3A_130 = vector.shape_cast %swap3A_129 : vector<16xi32> to vector<16xi32>
      %swap3A_131 = vector.shape_cast %get3A_127 : vector<16xi32> to vector<16xi32>
      tpu.vector_store %arg8[%swap3A_128], %swap3A_131 {strides = array<i32>} : memref<256xi32, #tpu.memory_space<vmem>>, vector<16xi32>,
      %get3A_132 = arith.constant 0 : i32
      %get3A_133 = arith.index_cast %get3A_132 : i32 to index
      %get3A_134 = arith.constant 112 : index
      %get3A_135 = tpu.vector_load %arg6[%get3A_133, %get3A_134] {strides = array<i32>} : memref<2x256xi32, #tpu.memory_space<vmem>>, vector<1x16xi32>,
      %get3A_136 = vector.shape_cast %get3A_135 : vector<1x16xi32> to vector<16xi32>
      %swap3A_137 = arith.constant 112 : index
      %swap3A_138 = tpu.vector_load %arg7[%swap3A_137] {strides = array<i32>} : memref<256xi32, #tpu.memory_space<vmem>>, vector<16xi32>,
      %swap3A_139 = vector.shape_cast %swap3A_138 : vector<16xi32> to vector<16xi32>
      %swap3A_140 = vector.shape_cast %get3A_136 : vector<16xi32> to vector<16xi32>
      tpu.vector_store %arg7[%swap3A_137], %swap3A_140 {strides = array<i32>} : memref<256xi32, #tpu.memory_space<vmem>>, vector<16xi32>,
      %get3A_141 = arith.constant 1 : i32
      %get3A_142 = arith.index_cast %get3A_141 : i32 to index
      %get3A_143 = arith.constant 112 : index
      %get3A_144 = tpu.vector_load %arg6[%get3A_142, %get3A_143] {strides = array<i32>} : memref<2x256xi32, #tpu.memory_space<vmem>>, vector<1x16xi32>,
      %get3A_145 = vector.shape_cast %get3A_144 : vector<1x16xi32> to vector<16xi32>
      %swap3A_146 = arith.constant 112 : index
      %swap3A_147 = tpu.vector_load %arg8[%swap3A_146] {strides = array<i32>} : memref<256xi32, #tpu.memory_space<vmem>>, vector<16xi32>,
      %swap3A_148 = vector.shape_cast %swap3A_147 : vector<16xi32> to vector<16xi32>
      %swap3A_149 = vector.shape_cast %get3A_145 : vector<16xi32> to vector<16xi32>
      tpu.vector_store %arg8[%swap3A_146], %swap3A_149 {strides = array<i32>} : memref<256xi32, #tpu.memory_space<vmem>>, vector<16xi32>,
      %get3A_150 = arith.constant 0 : i32
      %get3A_151 = arith.index_cast %get3A_150 : i32 to index
      %get3A_152 = arith.constant 128 : index
      %get3A_153 = tpu.vector_load %arg6[%get3A_151, %get3A_152] {strides = array<i32>} : memref<2x256xi32, #tpu.memory_space<vmem>>, vector<1x16xi32>,
      %get3A_154 = vector.shape_cast %get3A_153 : vector<1x16xi32> to vector<16xi32>
      %swap3A_155 = arith.constant 128 : index
      %swap3A_156 = tpu.vector_load %arg7[%swap3A_155] {strides = array<i32>} : memref<256xi32, #tpu.memory_space<vmem>>, vector<16xi32>,
      %swap3A_157 = vector.shape_cast %swap3A_156 : vector<16xi32> to vector<16xi32>
      %swap3A_158 = vector.shape_cast %get3A_154 : vector<16xi32> to vector<16xi32>
      tpu.vector_store %arg7[%swap3A_155], %swap3A_158 {strides = array<i32>} : memref<256xi32, #tpu.memory_space<vmem>>, vector<16xi32>,
      %get3A_159 = arith.constant 1 : i32
      %get3A_160 = arith.index_cast %get3A_159 : i32 to index
      %get3A_161 = arith.constant 128 : index
      %get3A_162 = tpu.vector_load %arg6[%get3A_160, %get3A_161] {strides = array<i32>} : memref<2x256xi32, #tpu.memory_space<vmem>>, vector<1x16xi32>,
      %get3A_163 = vector.shape_cast %get3A_162 : vector<1x16xi32> to vector<16xi32>
      %swap3A_164 = arith.constant 128 : index
      %swap3A_165 = tpu.vector_load %arg8[%swap3A_164] {strides = array<i32>} : memref<256xi32, #tpu.memory_space<vmem>>, vector<16xi32>,
      %swap3A_166 = vector.shape_cast %swap3A_165 : vector<16xi32> to vector<16xi32>
      %swap3A_167 = vector.shape_cast %get3A_163 : vector<16xi32> to vector<16xi32>
      tpu.vector_store %arg8[%swap3A_164], %swap3A_167 {strides = array<i32>} : memref<256xi32, #tpu.memory_space<vmem>>, vector<16xi32>,
      %get3A_168 = arith.constant 0 : i32
      %get3A_169 = arith.index_cast %get3A_168 : i32 to index
      %get3A_170 = arith.constant 144 : index
      %get3A_171 = tpu.vector_load %arg6[%get3A_169, %get3A_170] {strides = array<i32>} : memref<2x256xi32, #tpu.memory_space<vmem>>, vector<1x16xi32>,
      %get3A_172 = vector.shape_cast %get3A_171 : vector<1x16xi32> to vector<16xi32>
      %swap3A_173 = arith.constant 144 : index
      %swap3A_174 = tpu.vector_load %arg7[%swap3A_173] {strides = array<i32>} : memref<256xi32, #tpu.memory_space<vmem>>, vector<16xi32>,
      %swap3A_175 = vector.shape_cast %swap3A_174 : vector<16xi32> to vector<16xi32>
      %swap3A_176 = vector.shape_cast %get3A_172 : vector<16xi32> to vector<16xi32>
      tpu.vector_store %arg7[%swap3A_173], %swap3A_176 {strides = array<i32>} : memref<256xi32, #tpu.memory_space<vmem>>, vector<16xi32>,
      %get3A_177 = arith.constant 1 : i32
      %get3A_178 = arith.index_cast %get3A_177 : i32 to index
      %get3A_179 = arith.constant 144 : index
      %get3A_180 = tpu.vector_load %arg6[%get3A_178, %get3A_179] {strides = array<i32>} : memref<2x256xi32, #tpu.memory_space<vmem>>, vector<1x16xi32>,
      %get3A_181 = vector.shape_cast %get3A_180 : vector<1x16xi32> to vector<16xi32>
      %swap3A_182 = arith.constant 144 : index
      %swap3A_183 = tpu.vector_load %arg8[%swap3A_182] {strides = array<i32>} : memref<256xi32, #tpu.memory_space<vmem>>, vector<16xi32>,
      %swap3A_184 = vector.shape_cast %swap3A_183 : vector<16xi32> to vector<16xi32>
      %swap3A_185 = vector.shape_cast %get3A_181 : vector<16xi32> to vector<16xi32>
      tpu.vector_store %arg8[%swap3A_182], %swap3A_185 {strides = array<i32>} : memref<256xi32, #tpu.memory_space<vmem>>, vector<16xi32>,
      %get3A_186 = arith.constant 0 : i32
      %get3A_187 = arith.index_cast %get3A_186 : i32 to index
      %get3A_188 = arith.constant 160 : index
      %get3A_189 = tpu.vector_load %arg6[%get3A_187, %get3A_188] {strides = array<i32>} : memref<2x256xi32, #tpu.memory_space<vmem>>, vector<1x16xi32>,
      %get3A_190 = vector.shape_cast %get3A_189 : vector<1x16xi32> to vector<16xi32>
      %swap3A_191 = arith.constant 160 : index
      %swap3A_192 = tpu.vector_load %arg7[%swap3A_191] {strides = array<i32>} : memref<256xi32, #tpu.memory_space<vmem>>, vector<16xi32>,
      %swap3A_193 = vector.shape_cast %swap3A_192 : vector<16xi32> to vector<16xi32>
      %swap3A_194 = vector.shape_cast %get3A_190 : vector<16xi32> to vector<16xi32>
      tpu.vector_store %arg7[%swap3A_191], %swap3A_194 {strides = array<i32>} : memref<256xi32, #tpu.memory_space<vmem>>, vector<16xi32>,
      %get3A_195 = arith.constant 1 : i32
      %get3A_196 = arith.index_cast %get3A_195 : i32 to index
      %get3A_197 = arith.constant 160 : index
      %get3A_198 = tpu.vector_load %arg6[%get3A_196, %get3A_197] {strides = array<i32>} : memref<2x256xi32, #tpu.memory_space<vmem>>, vector<1x16xi32>,
      %get3A_199 = vector.shape_cast %get3A_198 : vector<1x16xi32> to vector<16xi32>
      %swap3A_200 = arith.constant 160 : index
      %swap3A_201 = tpu.vector_load %arg8[%swap3A_200] {strides = array<i32>} : memref<256xi32, #tpu.memory_space<vmem>>, vector<16xi32>,
      %swap3A_202 = vector.shape_cast %swap3A_201 : vector<16xi32> to vector<16xi32>
      %swap3A_203 = vector.shape_cast %get3A_199 : vector<16xi32> to vector<16xi32>
      tpu.vector_store %arg8[%swap3A_200], %swap3A_203 {strides = array<i32>} : memref<256xi32, #tpu.memory_space<vmem>>, vector<16xi32>,
      %get3A_204 = arith.constant 0 : i32
      %get3A_205 = arith.index_cast %get3A_204 : i32 to index
      %get3A_206 = arith.constant 176 : index
      %get3A_207 = tpu.vector_load %arg6[%get3A_205, %get3A_206] {strides = array<i32>} : memref<2x256xi32, #tpu.memory_space<vmem>>, vector<1x16xi32>,
      %get3A_208 = vector.shape_cast %get3A_207 : vector<1x16xi32> to vector<16xi32>
      %swap3A_209 = arith.constant 176 : index
      %swap3A_210 = tpu.vector_load %arg7[%swap3A_209] {strides = array<i32>} : memref<256xi32, #tpu.memory_space<vmem>>, vector<16xi32>,
      %swap3A_211 = vector.shape_cast %swap3A_210 : vector<16xi32> to vector<16xi32>
      %swap3A_212 = vector.shape_cast %get3A_208 : vector<16xi32> to vector<16xi32>
      tpu.vector_store %arg7[%swap3A_209], %swap3A_212 {strides = array<i32>} : memref<256xi32, #tpu.memory_space<vmem>>, vector<16xi32>,
      %get3A_213 = arith.constant 1 : i32
      %get3A_214 = arith.index_cast %get3A_213 : i32 to index
      %get3A_215 = arith.constant 176 : index
      %get3A_216 = tpu.vector_load %arg6[%get3A_214, %get3A_215] {strides = array<i32>} : memref<2x256xi32, #tpu.memory_space<vmem>>, vector<1x16xi32>,
      %get3A_217 = vector.shape_cast %get3A_216 : vector<1x16xi32> to vector<16xi32>
      %swap3A_218 = arith.constant 176 : index
      %swap3A_219 = tpu.vector_load %arg8[%swap3A_218] {strides = array<i32>} : memref<256xi32, #tpu.memory_space<vmem>>, vector<16xi32>,
      %swap3A_220 = vector.shape_cast %swap3A_219 : vector<16xi32> to vector<16xi32>
      %swap3A_221 = vector.shape_cast %get3A_217 : vector<16xi32> to vector<16xi32>
      tpu.vector_store %arg8[%swap3A_218], %swap3A_221 {strides = array<i32>} : memref<256xi32, #tpu.memory_space<vmem>>, vector<16xi32>,
      %get3A_222 = arith.constant 0 : i32
      %get3A_223 = arith.index_cast %get3A_222 : i32 to index
      %get3A_224 = arith.constant 192 : index
      %get3A_225 = tpu.vector_load %arg6[%get3A_223, %get3A_224] {strides = array<i32>} : memref<2x256xi32, #tpu.memory_space<vmem>>, vector<1x16xi32>,
      %get3A_226 = vector.shape_cast %get3A_225 : vector<1x16xi32> to vector<16xi32>
      %swap3A_227 = arith.constant 192 : index
      %swap3A_228 = tpu.vector_load %arg7[%swap3A_227] {strides = array<i32>} : memref<256xi32, #tpu.memory_space<vmem>>, vector<16xi32>,
      %swap3A_229 = vector.shape_cast %swap3A_228 : vector<16xi32> to vector<16xi32>
      %swap3A_230 = vector.shape_cast %get3A_226 : vector<16xi32> to vector<16xi32>
      tpu.vector_store %arg7[%swap3A_227], %swap3A_230 {strides = array<i32>} : memref<256xi32, #tpu.memory_space<vmem>>, vector<16xi32>,
      %get3A_231 = arith.constant 1 : i32
      %get3A_232 = arith.index_cast %get3A_231 : i32 to index
      %get3A_233 = arith.constant 192 : index
      %get3A_234 = tpu.vector_load %arg6[%get3A_232, %get3A_233] {strides = array<i32>} : memref<2x256xi32, #tpu.memory_space<vmem>>, vector<1x16xi32>,
      %get3A_235 = vector.shape_cast %get3A_234 : vector<1x16xi32> to vector<16xi32>
      %swap3A_236 = arith.constant 192 : index
      %swap3A_237 = tpu.vector_load %arg8[%swap3A_236] {strides = array<i32>} : memref<256xi32, #tpu.memory_space<vmem>>, vector<16xi32>,
      %swap3A_238 = vector.shape_cast %swap3A_237 : vector<16xi32> to vector<16xi32>
      %swap3A_239 = vector.shape_cast %get3A_235 : vector<16xi32> to vector<16xi32>
      tpu.vector_store %arg8[%swap3A_236], %swap3A_239 {strides = array<i32>} : memref<256xi32, #tpu.memory_space<vmem>>, vector<16xi32>,
      %get3A_240 = arith.constant 0 : i32
      %get3A_241 = arith.index_cast %get3A_240 : i32 to index
      %get3A_242 = arith.constant 208 : index
      %get3A_243 = tpu.vector_load %arg6[%get3A_241, %get3A_242] {strides = array<i32>} : memref<2x256xi32, #tpu.memory_space<vmem>>, vector<1x16xi32>,
      %get3A_244 = vector.shape_cast %get3A_243 : vector<1x16xi32> to vector<16xi32>
      %swap3A_245 = arith.constant 208 : index
      %swap3A_246 = tpu.vector_load %arg7[%swap3A_245] {strides = array<i32>} : memref<256xi32, #tpu.memory_space<vmem>>, vector<16xi32>,
      %swap3A_247 = vector.shape_cast %swap3A_246 : vector<16xi32> to vector<16xi32>
      %swap3A_248 = vector.shape_cast %get3A_244 : vector<16xi32> to vector<16xi32>
      tpu.vector_store %arg7[%swap3A_245], %swap3A_248 {strides = array<i32>} : memref<256xi32, #tpu.memory_space<vmem>>, vector<16xi32>,
      %get3A_249 = arith.constant 1 : i32
      %get3A_250 = arith.index_cast %get3A_249 : i32 to index
      %get3A_251 = arith.constant 208 : index
      %get3A_252 = tpu.vector_load %arg6[%get3A_250, %get3A_251] {strides = array<i32>} : memref<2x256xi32, #tpu.memory_space<vmem>>, vector<1x16xi32>,
      %get3A_253 = vector.shape_cast %get3A_252 : vector<1x16xi32> to vector<16xi32>
      %swap3A_254 = arith.constant 208 : index
      %swap3A_255 = tpu.vector_load %arg8[%swap3A_254] {strides = array<i32>} : memref<256xi32, #tpu.memory_space<vmem>>, vector<16xi32>,
      %swap3A_256 = vector.shape_cast %swap3A_255 : vector<16xi32> to vector<16xi32>
      %swap3A_257 = vector.shape_cast %get3A_253 : vector<16xi32> to vector<16xi32>
      tpu.vector_store %arg8[%swap3A_254], %swap3A_257 {strides = array<i32>} : memref<256xi32, #tpu.memory_space<vmem>>, vector<16xi32>,
      %get3A_258 = arith.constant 0 : i32
      %get3A_259 = arith.index_cast %get3A_258 : i32 to index
      %get3A_260 = arith.constant 224 : index
      %get3A_261 = tpu.vector_load %arg6[%get3A_259, %get3A_260] {strides = array<i32>} : memref<2x256xi32, #tpu.memory_space<vmem>>, vector<1x16xi32>,
      %get3A_262 = vector.shape_cast %get3A_261 : vector<1x16xi32> to vector<16xi32>
      %swap3A_263 = arith.constant 224 : index
      %swap3A_264 = tpu.vector_load %arg7[%swap3A_263] {strides = array<i32>} : memref<256xi32, #tpu.memory_space<vmem>>, vector<16xi32>,
      %swap3A_265 = vector.shape_cast %swap3A_264 : vector<16xi32> to vector<16xi32>
      %swap3A_266 = vector.shape_cast %get3A_262 : vector<16xi32> to vector<16xi32>
      tpu.vector_store %arg7[%swap3A_263], %swap3A_266 {strides = array<i32>} : memref<256xi32, #tpu.memory_space<vmem>>, vector<16xi32>,
      %get3A_267 = arith.constant 1 : i32
      %get3A_268 = arith.index_cast %get3A_267 : i32 to index
      %get3A_269 = arith.constant 224 : index
      %get3A_270 = tpu.vector_load %arg6[%get3A_268, %get3A_269] {strides = array<i32>} : memref<2x256xi32, #tpu.memory_space<vmem>>, vector<1x16xi32>,
      %get3A_271 = vector.shape_cast %get3A_270 : vector<1x16xi32> to vector<16xi32>
      %swap3A_272 = arith.constant 224 : index
      %swap3A_273 = tpu.vector_load %arg8[%swap3A_272] {strides = array<i32>} : memref<256xi32, #tpu.memory_space<vmem>>, vector<16xi32>,
      %swap3A_274 = vector.shape_cast %swap3A_273 : vector<16xi32> to vector<16xi32>
      %swap3A_275 = vector.shape_cast %get3A_271 : vector<16xi32> to vector<16xi32>
      tpu.vector_store %arg8[%swap3A_272], %swap3A_275 {strides = array<i32>} : memref<256xi32, #tpu.memory_space<vmem>>, vector<16xi32>,
      %get3A_276 = arith.constant 0 : i32
      %get3A_277 = arith.index_cast %get3A_276 : i32 to index
      %get3A_278 = arith.constant 240 : index
      %get3A_279 = tpu.vector_load %arg6[%get3A_277, %get3A_278] {strides = array<i32>} : memref<2x256xi32, #tpu.memory_space<vmem>>, vector<1x16xi32>,
      %get3A_280 = vector.shape_cast %get3A_279 : vector<1x16xi32> to vector<16xi32>
      %swap3A_281 = arith.constant 240 : index
      %swap3A_282 = tpu.vector_load %arg7[%swap3A_281] {strides = array<i32>} : memref<256xi32, #tpu.memory_space<vmem>>, vector<16xi32>,
      %swap3A_283 = vector.shape_cast %swap3A_282 : vector<16xi32> to vector<16xi32>
      %swap3A_284 = vector.shape_cast %get3A_280 : vector<16xi32> to vector<16xi32>
      tpu.vector_store %arg7[%swap3A_281], %swap3A_284 {strides = array<i32>} : memref<256xi32, #tpu.memory_space<vmem>>, vector<16xi32>,
      %get3A_285 = arith.constant 1 : i32
      %get3A_286 = arith.index_cast %get3A_285 : i32 to index
      %get3A_287 = arith.constant 240 : index
      %get3A_288 = tpu.vector_load %arg6[%get3A_286, %get3A_287] {strides = array<i32>} : memref<2x256xi32, #tpu.memory_space<vmem>>, vector<1x16xi32>,
      %get3A_289 = vector.shape_cast %get3A_288 : vector<1x16xi32> to vector<16xi32>
      %swap3A_290 = arith.constant 240 : index
      %swap3A_291 = tpu.vector_load %arg8[%swap3A_290] {strides = array<i32>} : memref<256xi32, #tpu.memory_space<vmem>>, vector<16xi32>,
      %swap3A_292 = vector.shape_cast %swap3A_291 : vector<16xi32> to vector<16xi32>
      %swap3A_293 = vector.shape_cast %get3A_289 : vector<16xi32> to vector<16xi32>
      tpu.vector_store %arg8[%swap3A_290], %swap3A_293 {strides = array<i32>} : memref<256xi32, #tpu.memory_space<vmem>>, vector<16xi32>,
      %dma_start3A = arith.constant 0 : i32
      %dma_start3A_294 = arith.constant 0 : i32
      %dma_start3A_295 = tpu.memref_slice %arg2[%dma_start3A, %dma_start3A_294] : memref<20480x128xf32, #tpu.memory_space<hbm>> -> memref<20480x128xf32, #tpu.memory_space<hbm>>
      tpu.enqueue_indirect_dma source(%dma_start3A_295 : memref<20480x128xf32, #tpu.memory_space<hbm>>) target(%arg9 : memref<256x128xf32, #tpu.memory_space<vmem>>) offsets(%arg7 : memref<256xi32, #tpu.memory_space<vmem>>) semaphore(%arg10 : memref<!tpu.dma_semaphore, #tpu.memory_space<semaphore_mem>>)
      %dma_wait3A = arith.constant 0 : i32
      %dma_wait3A_296 = arith.constant 0 : i32
      %dma_wait3A_297 = tpu.memref_slice %arg2[%dma_wait3A, %dma_wait3A_296] : memref<20480x128xf32, #tpu.memory_space<hbm>> -> memref<20480x128xf32, #tpu.memory_space<hbm>>
      tpu.wait_indirect_dma semaphore(%arg10 : memref<!tpu.dma_semaphore, #tpu.memory_space<semaphore_mem>>) src(%dma_wait3A_297 : memref<20480x128xf32, #tpu.memory_space<hbm>>) dst(%arg9 : memref<256x128xf32, #tpu.memory_space<vmem>>)
      "tpu.region"() ({
        %run_scoped3A = tpu.sem_alloc : memref<!tpu.dma_semaphore, #tpu.memory_space<semaphore_mem>>
        %dma_start3A_298 = arith.constant 0 : i32
        %dma_start3A_299 = arith.constant 0 : i32
        %dma_start3A_300 = tpu.memref_slice %arg11[%dma_start3A_298, %dma_start3A_299] : memref<10240x128xf32, #tpu.memory_space<vmem_shared>> -> memref<10240x128xf32, #tpu.memory_space<vmem_shared>>
        tpu.enqueue_indirect_dma source(%arg9 : memref<256x128xf32, #tpu.memory_space<vmem>>) target(%dma_start3A_300 : memref<10240x128xf32, #tpu.memory_space<vmem_shared>>) offsets(%arg8 : memref<256xi32, #tpu.memory_space<vmem>>) semaphore(%run_scoped3A : memref<!tpu.dma_semaphore, #tpu.memory_space<semaphore_mem>>) {add = true}
        %dma_wait3A_301 = arith.constant 0 : i32
        %dma_wait3A_302 = arith.constant 0 : i32
        %dma_wait3A_303 = tpu.memref_slice %arg11[%dma_wait3A_301, %dma_wait3A_302] : memref<10240x128xf32, #tpu.memory_space<vmem_shared>> -> memref<10240x128xf32, #tpu.memory_space<vmem_shared>>
        tpu.wait_indirect_dma semaphore(%run_scoped3A : memref<!tpu.dma_semaphore, #tpu.memory_space<semaphore_mem>>) src(%arg9 : memref<256x128xf32, #tpu.memory_space<vmem>>) dst(%dma_wait3A_303 : memref<10240x128xf32, #tpu.memory_space<vmem_shared>>)
        tpu.yield
      }) : () -> ()
    }
    %scan3A_5 = arith.constant 79 : i32
    %barrier3A_6 = arith.constant 0 : index
    tpu.barrier barrier_id(%barrier3A_6)
    "tpu.region"() ({
      %run_scoped3A = tpu.sem_alloc : memref<!tpu.dma_semaphore, #tpu.memory_space<semaphore_mem>>
      %dma_start3A = arith.constant 0 : i32
      %dma_start3A_7 = tpu.memref_slice %arg5[%arg0, %mul3A_0, %dma_start3A] : memref<2x10240x128xf32, #tpu.memory_space<hbm>> -> memref<1x640x128xf32, #tpu.memory_space<hbm>>
      %dma_start3A_8 = tpu.memref_squeeze %dma_start3A_7 : memref<1x640x128xf32, #tpu.memory_space<hbm>> -> memref<640x128xf32, #tpu.memory_space<hbm>>
      %dma_start3A_9 = arith.constant 0 : i32
      %dma_start3A_10 = tpu.memref_slice %arg11[%mul3A_0, %dma_start3A_9] : memref<10240x128xf32, #tpu.memory_space<vmem_shared>> -> memref<640x128xf32, #tpu.memory_space<vmem_shared>>
      tpu.enqueue_dma source(%dma_start3A_10 : memref<640x128xf32, #tpu.memory_space<vmem_shared>>) target(%dma_start3A_8 : memref<640x128xf32, #tpu.memory_space<hbm>>) target_semaphore(%run_scoped3A : memref<!tpu.dma_semaphore, #tpu.memory_space<semaphore_mem>>)
      %dma_wait3A = arith.constant 0 : i32
      %dma_wait3A_11 = tpu.memref_slice %arg5[%arg0, %mul3A_0, %dma_wait3A] : memref<2x10240x128xf32, #tpu.memory_space<hbm>> -> memref<1x640x128xf32, #tpu.memory_space<hbm>>
      %dma_wait3A_12 = tpu.memref_squeeze %dma_wait3A_11 : memref<1x640x128xf32, #tpu.memory_space<hbm>> -> memref<640x128xf32, #tpu.memory_space<hbm>>
      %dma_wait3A_13 = arith.constant 0 : i32
      %dma_wait3A_14 = tpu.memref_slice %arg11[%mul3A_0, %dma_wait3A_13] : memref<10240x128xf32, #tpu.memory_space<vmem_shared>> -> memref<640x128xf32, #tpu.memory_space<vmem_shared>>
      tpu.wait_dma2 semaphore(%run_scoped3A : memref<!tpu.dma_semaphore, #tpu.memory_space<semaphore_mem>>) src(%dma_wait3A_14 : memref<640x128xf32, #tpu.memory_space<vmem_shared>>) dst(%dma_wait3A_12 : memref<640x128xf32, #tpu.memory_space<hbm>>)
      tpu.yield
    }) : () -> ()
    return
  }
}

module attributes {stable_mosaic.version = 14 : i64} {
  func.func @_y0_body(%arg0: i32, %arg1: i32, %arg2: memref<1x1280x128xf32, #tpu.memory_space<vmem>>, %arg3: memref<128x128xf32, #tpu.memory_space<vmem>>, %arg4: memref<1x1280x1xf32, #tpu.memory_space<vmem>>, %arg5: memref<1x1280x128xf32, #tpu.memory_space<vmem>>, %arg6: memref<1x1280x1xf32, #tpu.memory_space<vmem>>) attributes {dimension_semantics = [#tpu.dimension_semantics<arbitrary>, #tpu.dimension_semantics<arbitrary>], iteration_bounds = array<i64: 2, 8>, scalar_prefetch = 0 : i64, scratch_operands = 0 : i64, tpu.core_type = #tpu.core_type<tc>, window_params = [{transform_indices = @transform_0, window_bounds = array<i64: 1, 1280, 128>}, {pipeline_mode = #tpu.pipeline_mode<synchronous>, transform_indices = @transform_1, window_bounds = array<i64: 128, 128>}, {transform_indices = @transform_2, window_bounds = array<i64: 1, 1280, 1>}, {transform_indices = @transform_3, window_bounds = array<i64: 1, 1280, 128>}, {transform_indices = @transform_4, window_bounds = array<i64: 1, 1280, 1>}]} {
    %get3A = arith.constant 0 : index
    %get3A_0 = arith.constant 0 : index
    %get3A_1 = arith.constant 0 : index
    %get3A_2 = vector.load %arg4[%get3A, %get3A_0, %get3A_1] : memref<1x1280x1xf32, #tpu.memory_space<vmem>>, vector<1x1280x1xf32>
    %get3A_3 = vector.shape_cast %get3A_2 : vector<1x1280x1xf32> to vector<1280x1xf32>
    %add3A = arith.constant 1.000000e+00 : f32
    %add3A_4 = vector.broadcast %add3A : f32 to vector<1280x1xf32>
    %add3A_5 = arith.addf %get3A_3, %add3A_4 : vector<1280x1xf32>
    %max3A = arith.constant 1.000000e+00 : f32
    %max3A_6 = vector.broadcast %max3A : f32 to vector<1280x1xf32>
    %max3A_7 = arith.maximumf %add3A_5, %max3A_6 : vector<1280x1xf32>
    %rsqrt3A = math.rsqrt %max3A_7 : vector<1280x1xf32>
    %get3A_8 = arith.constant 0 : index
    %get3A_9 = arith.constant 0 : index
    %get3A_10 = arith.constant 0 : index
    %get3A_11 = vector.load %arg2[%get3A_8, %get3A_9, %get3A_10] : memref<1x1280x128xf32, #tpu.memory_space<vmem>>, vector<1x1280x128xf32>
    %get3A_12 = vector.shape_cast %get3A_11 : vector<1x1280x128xf32> to vector<1280x128xf32>
    %get3A_13 = arith.constant 0 : index
    %get3A_14 = arith.constant 0 : index
    %get3A_15 = vector.load %arg3[%get3A_13, %get3A_14] : memref<128x128xf32, #tpu.memory_space<vmem>>, vector<128x128xf32>
    %dot_general3A = arith.constant dense<0.000000e+00> : vector<1280x128xf32>
    %dot_general3A_16 = tpu.matmul %get3A_12, %get3A_15, %dot_general3A {dimension_numbers = #tpu.dot_dimension_numbers<[1], [0], [0], [1], [0, 0, 1, 1], [], []>, transpose_lhs_hint = false} : vector<1280x128xf32>, vector<128x128xf32>, vector<1280x128xf32> -> vector<1280x128xf32>
    %mul3A = vector.broadcast %rsqrt3A : vector<1280x1xf32> to vector<1280x128xf32>
    %mul3A_17 = arith.mulf %dot_general3A_16, %mul3A : vector<1280x128xf32>
    %swap3A = arith.constant 0 : index
    %swap3A_18 = arith.constant 0 : index
    %swap3A_19 = arith.constant 0 : index
    %swap3A_20 = vector.load %arg5[%swap3A, %swap3A_18, %swap3A_19] : memref<1x1280x128xf32, #tpu.memory_space<vmem>>, vector<1x1280x128xf32>
    %swap3A_21 = vector.shape_cast %swap3A_20 : vector<1x1280x128xf32> to vector<1280x128xf32>
    %swap3A_22 = vector.shape_cast %mul3A_17 : vector<1280x128xf32> to vector<1x1280x128xf32>
    tpu.vector_store %arg5[%swap3A, %swap3A_18, %swap3A_19], %swap3A_22 {strides = array<i32>} : memref<1x1280x128xf32, #tpu.memory_space<vmem>>, vector<1x1280x128xf32>,
    %swap3A_23 = arith.constant 0 : index
    %swap3A_24 = arith.constant 0 : index
    %swap3A_25 = arith.constant 0 : index
    %swap3A_26 = vector.load %arg6[%swap3A_23, %swap3A_24, %swap3A_25] : memref<1x1280x1xf32, #tpu.memory_space<vmem>>, vector<1x1280x1xf32>
    %swap3A_27 = vector.shape_cast %swap3A_26 : vector<1x1280x1xf32> to vector<1280x1xf32>
    %swap3A_28 = vector.shape_cast %rsqrt3A : vector<1280x1xf32> to vector<1x1280x1xf32>
    tpu.vector_store %arg6[%swap3A_23, %swap3A_24, %swap3A_25], %swap3A_28 {strides = array<i32>} : memref<1x1280x1xf32, #tpu.memory_space<vmem>>, vector<1x1280x1xf32>,
    return
  }
  func.func @transform_0(%arg0: i32, %arg1: i32) -> (i32, i32, i32) {
    %c0_i32 = arith.constant 0 : i32
    %c0_i32_0 = arith.constant 0 : i32
    return %arg0, %arg1, %c0_i32 : i32, i32, i32
  }
  func.func @transform_1(%arg0: i32, %arg1: i32) -> (i32, i32) {
    %c0_i32 = arith.constant 0 : i32
    %c0_i32_0 = arith.constant 0 : i32
    %c0_i32_1 = arith.constant 0 : i32
    return %c0_i32, %c0_i32_0 : i32, i32
  }
  func.func @transform_2(%arg0: i32, %arg1: i32) -> (i32, i32, i32) {
    %c0_i32 = arith.constant 0 : i32
    %c0_i32_0 = arith.constant 0 : i32
    return %arg0, %arg1, %c0_i32 : i32, i32, i32
  }
  func.func @transform_3(%arg0: i32, %arg1: i32) -> (i32, i32, i32) {
    %c0_i32 = arith.constant 0 : i32
    %c0_i32_0 = arith.constant 0 : i32
    return %arg0, %arg1, %c0_i32 : i32, i32, i32
  }
  func.func @transform_4(%arg0: i32, %arg1: i32) -> (i32, i32, i32) {
    %c0_i32 = arith.constant 0 : i32
    %c0_i32_0 = arith.constant 0 : i32
    return %arg0, %arg1, %c0_i32 : i32, i32, i32
  }
}

module attributes {stable_mosaic.version = 14 : i64} {
  func.func @_mid_body(%arg0: i32, %arg1: i32, %arg2: memref<1x1280x128xf32, #tpu.memory_space<vmem>>, %arg3: memref<1x1280x128xf32, #tpu.memory_space<vmem>>, %arg4: memref<1x1280x1xf32, #tpu.memory_space<vmem>>, %arg5: memref<1x128xf32, #tpu.memory_space<vmem>>, %arg6: memref<128x128xf32, #tpu.memory_space<vmem>>, %arg7: memref<1x128xf32, #tpu.memory_space<vmem>>, %arg8: memref<128x128xf32, #tpu.memory_space<vmem>>, %arg9: memref<1x1280x128xf32, #tpu.memory_space<vmem>>, %arg10: memref<1x1280x128xf32, #tpu.memory_space<vmem>>) attributes {dimension_semantics = [#tpu.dimension_semantics<arbitrary>, #tpu.dimension_semantics<arbitrary>], iteration_bounds = array<i64: 2, 8>, scalar_prefetch = 0 : i64, scratch_operands = 0 : i64, tpu.core_type = #tpu.core_type<tc>, window_params = [{transform_indices = @transform_0, window_bounds = array<i64: 1, 1280, 128>}, {transform_indices = @transform_1, window_bounds = array<i64: 1, 1280, 128>}, {transform_indices = @transform_2, window_bounds = array<i64: 1, 1280, 1>}, {pipeline_mode = #tpu.pipeline_mode<synchronous>, transform_indices = @transform_3, window_bounds = array<i64: 1, 128>}, {pipeline_mode = #tpu.pipeline_mode<synchronous>, transform_indices = @transform_4, window_bounds = array<i64: 128, 128>}, {pipeline_mode = #tpu.pipeline_mode<synchronous>, transform_indices = @transform_5, window_bounds = array<i64: 1, 128>}, {pipeline_mode = #tpu.pipeline_mode<synchronous>, transform_indices = @transform_6, window_bounds = array<i64: 128, 128>}, {transform_indices = @transform_7, window_bounds = array<i64: 1, 1280, 128>}, {transform_indices = @transform_8, window_bounds = array<i64: 1, 1280, 128>}]} {
    %get3A = arith.constant 0 : index
    %get3A_0 = arith.constant 0 : index
    %get3A_1 = arith.constant 0 : index
    %get3A_2 = vector.load %arg4[%get3A, %get3A_0, %get3A_1] : memref<1x1280x1xf32, #tpu.memory_space<vmem>>, vector<1x1280x1xf32>
    %get3A_3 = vector.shape_cast %get3A_2 : vector<1x1280x1xf32> to vector<1280x1xf32>
    %get3A_4 = arith.constant 0 : index
    %get3A_5 = arith.constant 0 : index
    %get3A_6 = arith.constant 0 : index
    %get3A_7 = vector.load %arg2[%get3A_4, %get3A_5, %get3A_6] : memref<1x1280x128xf32, #tpu.memory_space<vmem>>, vector<1x1280x128xf32>
    %get3A_8 = vector.shape_cast %get3A_7 : vector<1x1280x128xf32> to vector<1280x128xf32>
    %get3A_9 = arith.constant 0 : index
    %get3A_10 = arith.constant 0 : index
    %get3A_11 = arith.constant 0 : index
    %get3A_12 = vector.load %arg3[%get3A_9, %get3A_10, %get3A_11] : memref<1x1280x128xf32, #tpu.memory_space<vmem>>, vector<1x1280x128xf32>
    %get3A_13 = vector.shape_cast %get3A_12 : vector<1x1280x128xf32> to vector<1280x128xf32>
    %add3A = arith.addf %get3A_8, %get3A_13 : vector<1280x128xf32>
    %mul3A = vector.broadcast %get3A_3 : vector<1280x1xf32> to vector<1280x128xf32>
    %mul3A_14 = arith.mulf %mul3A, %add3A : vector<1280x128xf32>
    %get3A_15 = arith.constant 0 : index
    %get3A_16 = arith.constant 0 : index
    %get3A_17 = vector.load %arg5[%get3A_15, %get3A_16] : memref<1x128xf32, #tpu.memory_space<vmem>>, vector<1x128xf32>
    %add3A_18 = vector.broadcast %get3A_17 : vector<1x128xf32> to vector<1280x128xf32>
    %add3A_19 = arith.addf %mul3A_14, %add3A_18 : vector<1280x128xf32>
    %max3A = arith.constant 0.000000e+00 : f32
    %max3A_20 = vector.broadcast %max3A : f32 to vector<1280x128xf32>
    %max3A_21 = arith.maximumf %add3A_19, %max3A_20 : vector<1280x128xf32>
    %get3A_22 = arith.constant 0 : index
    %get3A_23 = arith.constant 0 : index
    %get3A_24 = vector.load %arg6[%get3A_22, %get3A_23] : memref<128x128xf32, #tpu.memory_space<vmem>>, vector<128x128xf32>
    %dot_general3A = arith.constant dense<0.000000e+00> : vector<1280x128xf32>
    %dot_general3A_25 = tpu.matmul %max3A_21, %get3A_24, %dot_general3A {dimension_numbers = #tpu.dot_dimension_numbers<[1], [0], [0], [1], [0, 0, 1, 1], [], []>, transpose_lhs_hint = false} : vector<1280x128xf32>, vector<128x128xf32>, vector<1280x128xf32> -> vector<1280x128xf32>
    %get3A_26 = arith.constant 0 : index
    %get3A_27 = arith.constant 0 : index
    %get3A_28 = vector.load %arg7[%get3A_26, %get3A_27] : memref<1x128xf32, #tpu.memory_space<vmem>>, vector<1x128xf32>
    %add3A_29 = vector.broadcast %get3A_28 : vector<1x128xf32> to vector<1280x128xf32>
    %add3A_30 = arith.addf %dot_general3A_25, %add3A_29 : vector<1280x128xf32>
    %swap3A = arith.constant 0 : index
    %swap3A_31 = arith.constant 0 : index
    %swap3A_32 = arith.constant 0 : index
    %swap3A_33 = vector.load %arg9[%swap3A, %swap3A_31, %swap3A_32] : memref<1x1280x128xf32, #tpu.memory_space<vmem>>, vector<1x1280x128xf32>
    %swap3A_34 = vector.shape_cast %swap3A_33 : vector<1x1280x128xf32> to vector<1280x128xf32>
    %swap3A_35 = vector.shape_cast %add3A_30 : vector<1280x128xf32> to vector<1x1280x128xf32>
    tpu.vector_store %arg9[%swap3A, %swap3A_31, %swap3A_32], %swap3A_35 {strides = array<i32>} : memref<1x1280x128xf32, #tpu.memory_space<vmem>>, vector<1x1280x128xf32>,
    %get3A_36 = arith.constant 0 : index
    %get3A_37 = arith.constant 0 : index
    %get3A_38 = vector.load %arg8[%get3A_36, %get3A_37] : memref<128x128xf32, #tpu.memory_space<vmem>>, vector<128x128xf32>
    %dot_general3A_39 = arith.constant dense<0.000000e+00> : vector<1280x128xf32>
    %dot_general3A_40 = tpu.matmul %add3A_30, %get3A_38, %dot_general3A_39 {dimension_numbers = #tpu.dot_dimension_numbers<[1], [0], [0], [1], [0, 0, 1, 1], [], []>, transpose_lhs_hint = false} : vector<1280x128xf32>, vector<128x128xf32>, vector<1280x128xf32> -> vector<1280x128xf32>
    %mul3A_41 = vector.broadcast %get3A_3 : vector<1280x1xf32> to vector<1280x128xf32>
    %mul3A_42 = arith.mulf %dot_general3A_40, %mul3A_41 : vector<1280x128xf32>
    %swap3A_43 = arith.constant 0 : index
    %swap3A_44 = arith.constant 0 : index
    %swap3A_45 = arith.constant 0 : index
    %swap3A_46 = vector.load %arg10[%swap3A_43, %swap3A_44, %swap3A_45] : memref<1x1280x128xf32, #tpu.memory_space<vmem>>, vector<1x1280x128xf32>
    %swap3A_47 = vector.shape_cast %swap3A_46 : vector<1x1280x128xf32> to vector<1280x128xf32>
    %swap3A_48 = vector.shape_cast %mul3A_42 : vector<1280x128xf32> to vector<1x1280x128xf32>
    tpu.vector_store %arg10[%swap3A_43, %swap3A_44, %swap3A_45], %swap3A_48 {strides = array<i32>} : memref<1x1280x128xf32, #tpu.memory_space<vmem>>, vector<1x1280x128xf32>,
    return
  }
  func.func @transform_0(%arg0: i32, %arg1: i32) -> (i32, i32, i32) {
    %c0_i32 = arith.constant 0 : i32
    %c0_i32_0 = arith.constant 0 : i32
    return %arg0, %arg1, %c0_i32 : i32, i32, i32
  }
  func.func @transform_1(%arg0: i32, %arg1: i32) -> (i32, i32, i32) {
    %c0_i32 = arith.constant 0 : i32
    %c0_i32_0 = arith.constant 0 : i32
    return %arg0, %arg1, %c0_i32 : i32, i32, i32
  }
  func.func @transform_2(%arg0: i32, %arg1: i32) -> (i32, i32, i32) {
    %c0_i32 = arith.constant 0 : i32
    %c0_i32_0 = arith.constant 0 : i32
    return %arg0, %arg1, %c0_i32 : i32, i32, i32
  }
  func.func @transform_3(%arg0: i32, %arg1: i32) -> (i32, i32) {
    %c0_i32 = arith.constant 0 : i32
    %c0_i32_0 = arith.constant 0 : i32
    %c0_i32_1 = arith.constant 0 : i32
    return %c0_i32, %c0_i32_0 : i32, i32
  }
  func.func @transform_4(%arg0: i32, %arg1: i32) -> (i32, i32) {
    %c0_i32 = arith.constant 0 : i32
    %c0_i32_0 = arith.constant 0 : i32
    %c0_i32_1 = arith.constant 0 : i32
    return %c0_i32, %c0_i32_0 : i32, i32
  }
  func.func @transform_5(%arg0: i32, %arg1: i32) -> (i32, i32) {
    %c0_i32 = arith.constant 0 : i32
    %c0_i32_0 = arith.constant 0 : i32
    %c0_i32_1 = arith.constant 0 : i32
    return %c0_i32, %c0_i32_0 : i32, i32
  }
  func.func @transform_6(%arg0: i32, %arg1: i32) -> (i32, i32) {
    %c0_i32 = arith.constant 0 : i32
    %c0_i32_0 = arith.constant 0 : i32
    %c0_i32_1 = arith.constant 0 : i32
    return %c0_i32, %c0_i32_0 : i32, i32
  }
  func.func @transform_7(%arg0: i32, %arg1: i32) -> (i32, i32, i32) {
    %c0_i32 = arith.constant 0 : i32
    %c0_i32_0 = arith.constant 0 : i32
    return %arg0, %arg1, %c0_i32 : i32, i32, i32
  }
  func.func @transform_8(%arg0: i32, %arg1: i32) -> (i32, i32, i32) {
    %c0_i32 = arith.constant 0 : i32
    %c0_i32_0 = arith.constant 0 : i32
    return %arg0, %arg1, %c0_i32 : i32, i32, i32
  }
}

module attributes {stable_mosaic.version = 14 : i64} {
  func.func @_fin_body(%arg0: i32, %arg1: i32, %arg2: memref<1x1280x128xf32, #tpu.memory_space<vmem>>, %arg3: memref<1x1280x128xf32, #tpu.memory_space<vmem>>, %arg4: memref<1x1280x1xf32, #tpu.memory_space<vmem>>, %arg5: memref<1x128xf32, #tpu.memory_space<vmem>>, %arg6: memref<128x128xf32, #tpu.memory_space<vmem>>, %arg7: memref<1x128xf32, #tpu.memory_space<vmem>>, %arg8: memref<1x1280x128xf32, #tpu.memory_space<vmem>>, %arg9: memref<1x2xf32, #tpu.memory_space<smem>>, %arg10: memref<1x1280x128xf32, #tpu.memory_space<vmem>>) attributes {dimension_semantics = [#tpu.dimension_semantics<arbitrary>, #tpu.dimension_semantics<arbitrary>], iteration_bounds = array<i64: 2, 8>, scalar_prefetch = 0 : i64, scratch_operands = 0 : i64, tpu.core_type = #tpu.core_type<tc>, window_params = [{transform_indices = @transform_0, window_bounds = array<i64: 1, 1280, 128>}, {transform_indices = @transform_1, window_bounds = array<i64: 1, 1280, 128>}, {transform_indices = @transform_2, window_bounds = array<i64: 1, 1280, 1>}, {pipeline_mode = #tpu.pipeline_mode<synchronous>, transform_indices = @transform_3, window_bounds = array<i64: 1, 128>}, {pipeline_mode = #tpu.pipeline_mode<synchronous>, transform_indices = @transform_4, window_bounds = array<i64: 128, 128>}, {pipeline_mode = #tpu.pipeline_mode<synchronous>, transform_indices = @transform_5, window_bounds = array<i64: 1, 128>}, {transform_indices = @transform_6, window_bounds = array<i64: 1, 1280, 128>}, {transform_indices = @transform_7, window_bounds = array<i64: 1, 2>}, {transform_indices = @transform_8, window_bounds = array<i64: 1, 1280, 128>}]} {
    %get3A = arith.constant 0 : index
    %get3A_0 = arith.constant 0 : index
    %get3A_1 = arith.constant 0 : index
    %get3A_2 = vector.load %arg4[%get3A, %get3A_0, %get3A_1] : memref<1x1280x1xf32, #tpu.memory_space<vmem>>, vector<1x1280x1xf32>
    %get3A_3 = vector.shape_cast %get3A_2 : vector<1x1280x1xf32> to vector<1280x1xf32>
    %get3A_4 = arith.constant 0 : index
    %get3A_5 = arith.constant 0 : index
    %get3A_6 = arith.constant 0 : index
    %get3A_7 = vector.load %arg2[%get3A_4, %get3A_5, %get3A_6] : memref<1x1280x128xf32, #tpu.memory_space<vmem>>, vector<1x1280x128xf32>
    %get3A_8 = vector.shape_cast %get3A_7 : vector<1x1280x128xf32> to vector<1280x128xf32>
    %get3A_9 = arith.constant 0 : index
    %get3A_10 = arith.constant 0 : index
    %get3A_11 = arith.constant 0 : index
    %get3A_12 = vector.load %arg3[%get3A_9, %get3A_10, %get3A_11] : memref<1x1280x128xf32, #tpu.memory_space<vmem>>, vector<1x1280x128xf32>
    %get3A_13 = vector.shape_cast %get3A_12 : vector<1x1280x128xf32> to vector<1280x128xf32>
    %add3A = arith.addf %get3A_8, %get3A_13 : vector<1280x128xf32>
    %mul3A = vector.broadcast %get3A_3 : vector<1280x1xf32> to vector<1280x128xf32>
    %mul3A_14 = arith.mulf %mul3A, %add3A : vector<1280x128xf32>
    %get3A_15 = arith.constant 0 : index
    %get3A_16 = arith.constant 0 : index
    %get3A_17 = vector.load %arg5[%get3A_15, %get3A_16] : memref<1x128xf32, #tpu.memory_space<vmem>>, vector<1x128xf32>
    %add3A_18 = vector.broadcast %get3A_17 : vector<1x128xf32> to vector<1280x128xf32>
    %add3A_19 = arith.addf %mul3A_14, %add3A_18 : vector<1280x128xf32>
    %max3A = arith.constant 0.000000e+00 : f32
    %max3A_20 = vector.broadcast %max3A : f32 to vector<1280x128xf32>
    %max3A_21 = arith.maximumf %add3A_19, %max3A_20 : vector<1280x128xf32>
    %get3A_22 = arith.constant 0 : index
    %get3A_23 = arith.constant 0 : index
    %get3A_24 = vector.load %arg6[%get3A_22, %get3A_23] : memref<128x128xf32, #tpu.memory_space<vmem>>, vector<128x128xf32>
    %dot_general3A = arith.constant dense<0.000000e+00> : vector<1280x128xf32>
    %dot_general3A_25 = tpu.matmul %max3A_21, %get3A_24, %dot_general3A {dimension_numbers = #tpu.dot_dimension_numbers<[1], [0], [0], [1], [0, 0, 1, 1], [], []>, transpose_lhs_hint = false} : vector<1280x128xf32>, vector<128x128xf32>, vector<1280x128xf32> -> vector<1280x128xf32>
    %get3A_26 = arith.constant 0 : index
    %get3A_27 = arith.constant 0 : index
    %get3A_28 = vector.load %arg7[%get3A_26, %get3A_27] : memref<1x128xf32, #tpu.memory_space<vmem>>, vector<1x128xf32>
    %add3A_29 = vector.broadcast %get3A_28 : vector<1x128xf32> to vector<1280x128xf32>
    %add3A_30 = arith.addf %dot_general3A_25, %add3A_29 : vector<1280x128xf32>
    %get3A_31 = arith.constant 0 : index
    %get3A_32 = arith.constant 0 : index
    %get3A_33 = memref.load %arg9[%get3A_31, %get3A_32] : memref<1x2xf32, #tpu.memory_space<smem>>
    %get3A_34 = arith.constant 0 : index
    %get3A_35 = arith.constant 1 : index
    %get3A_36 = memref.load %arg9[%get3A_34, %get3A_35] : memref<1x2xf32, #tpu.memory_space<smem>>
    %abs3A = math.absf %get3A_33 : f32
    %max3A_37 = arith.constant 9.99999996E-13 : f32
    %max3A_38 = arith.maximumf %abs3A, %max3A_37 : f32
    %div3A = arith.divf %get3A_33, %max3A_38 : f32
    %abs3A_39 = math.absf %get3A_36 : f32
    %max3A_40 = arith.constant 9.99999996E-13 : f32
    %max3A_41 = arith.maximumf %abs3A_39, %max3A_40 : f32
    %div3A_42 = arith.divf %get3A_36, %max3A_41 : f32
    %get3A_43 = arith.constant 0 : index
    %get3A_44 = arith.constant 0 : index
    %get3A_45 = arith.constant 0 : index
    %get3A_46 = vector.load %arg8[%get3A_43, %get3A_44, %get3A_45] : memref<1x1280x128xf32, #tpu.memory_space<vmem>>, vector<1x1280x128xf32>
    %get3A_47 = vector.shape_cast %get3A_46 : vector<1x1280x128xf32> to vector<1280x128xf32>
    %mul3A_48 = vector.broadcast %div3A : f32 to vector<1280x128xf32>
    %mul3A_49 = arith.mulf %mul3A_48, %get3A_47 : vector<1280x128xf32>
    %mul3A_50 = vector.broadcast %div3A_42 : f32 to vector<1280x128xf32>
    %mul3A_51 = arith.mulf %mul3A_50, %add3A_30 : vector<1280x128xf32>
    %add3A_52 = arith.addf %mul3A_49, %mul3A_51 : vector<1280x128xf32>
    %swap3A = arith.constant 0 : index
    %swap3A_53 = arith.constant 0 : index
    %swap3A_54 = arith.constant 0 : index
    %swap3A_55 = vector.load %arg10[%swap3A, %swap3A_53, %swap3A_54] : memref<1x1280x128xf32, #tpu.memory_space<vmem>>, vector<1x1280x128xf32>
    %swap3A_56 = vector.shape_cast %swap3A_55 : vector<1x1280x128xf32> to vector<1280x128xf32>
    %swap3A_57 = vector.shape_cast %add3A_52 : vector<1280x128xf32> to vector<1x1280x128xf32>
    tpu.vector_store %arg10[%swap3A, %swap3A_53, %swap3A_54], %swap3A_57 {strides = array<i32>} : memref<1x1280x128xf32, #tpu.memory_space<vmem>>, vector<1x1280x128xf32>,
    return
  }
  func.func @transform_0(%arg0: i32, %arg1: i32) -> (i32, i32, i32) {
    %c0_i32 = arith.constant 0 : i32
    %c0_i32_0 = arith.constant 0 : i32
    return %arg0, %arg1, %c0_i32 : i32, i32, i32
  }
  func.func @transform_1(%arg0: i32, %arg1: i32) -> (i32, i32, i32) {
    %c0_i32 = arith.constant 0 : i32
    %c0_i32_0 = arith.constant 0 : i32
    return %arg0, %arg1, %c0_i32 : i32, i32, i32
  }
  func.func @transform_2(%arg0: i32, %arg1: i32) -> (i32, i32, i32) {
    %c0_i32 = arith.constant 0 : i32
    %c0_i32_0 = arith.constant 0 : i32
    return %arg0, %arg1, %c0_i32 : i32, i32, i32
  }
  func.func @transform_3(%arg0: i32, %arg1: i32) -> (i32, i32) {
    %c0_i32 = arith.constant 0 : i32
    %c0_i32_0 = arith.constant 0 : i32
    %c0_i32_1 = arith.constant 0 : i32
    return %c0_i32, %c0_i32_0 : i32, i32
  }
  func.func @transform_4(%arg0: i32, %arg1: i32) -> (i32, i32) {
    %c0_i32 = arith.constant 0 : i32
    %c0_i32_0 = arith.constant 0 : i32
    %c0_i32_1 = arith.constant 0 : i32
    return %c0_i32, %c0_i32_0 : i32, i32
  }
  func.func @transform_5(%arg0: i32, %arg1: i32) -> (i32, i32) {
    %c0_i32 = arith.constant 0 : i32
    %c0_i32_0 = arith.constant 0 : i32
    %c0_i32_1 = arith.constant 0 : i32
    return %c0_i32, %c0_i32_0 : i32, i32
  }
  func.func @transform_6(%arg0: i32, %arg1: i32) -> (i32, i32, i32) {
    %c0_i32 = arith.constant 0 : i32
    %c0_i32_0 = arith.constant 0 : i32
    return %arg0, %arg1, %c0_i32 : i32, i32, i32
  }
  func.func @transform_7(%arg0: i32, %arg1: i32) -> (i32, i32) {
    %c0_i32 = arith.constant 0 : i32
    %c0_i32_0 = arith.constant 0 : i32
    %c0_i32_1 = arith.constant 0 : i32
    return %c0_i32, %c0_i32_0 : i32, i32
  }
  func.func @transform_8(%arg0: i32, %arg1: i32) -> (i32, i32, i32) {
    %c0_i32 = arith.constant 0 : i32
    %c0_i32_0 = arith.constant 0 : i32
    return %arg0, %arg1, %c0_i32 : i32, i32, i32
  }
}

</mosaic_0001>

<sc_bundles>
// kernel: kernel.11.cloned.1.call-start
scs
__scs_entry_jumppad:
0x0: {  	(pc) =	sbr.rel $0x88, $3  }
0x1: {  	(tag) =	ssettag $0x0;
	lr =	simm.s32 $0x1  }
0x2: {  	[smem:$0x3F94] =	sst lr;
	_ =	strace $0xD0000000  }
0x3: {  	_ = 	snop  }
0x4: {  	_ = 	snop  }
0x5: {  	_ = 	snop  }
0x6: {  	_ = 	snop  }
0x7: {  	_ = 	snop  }
__scs_overlays_trampoline_lowered:
0x8: {  	[smem:$0x3FA3] =	sst s0  }
0x9: {  	[smem:$0x3FA4] =	sst s1  }
0xa: {  	[smem:$0x3FA5] =	sst s2  }
0xb: {  	[smem:$0x3FA6] =	sst s3  }
0xc: {  	[smem:$0x3FA7] =	sst s4  }
0xd: {  	[smem:$0x3FA8] =	sst s5  }
0xe: {  	[smem:$0x3FA9] =	sst s6  }
0xf: {  	[smem:$0x3FAA] =	sst s7  }
0x10: {  	[smem:$0x3FAB] =	sst s8  }
0x11: {  	[smem:$0x3FAC] =	sst s9;
	s0 =	simm.s32 @!p0 $0x0  }
0x12: {  	s1 =	sld [smem:$0x3F92];
	s0 =	simm.s32 @p0 $0x1  }
0x13: {  	[smem:$0x3FAD] =	sst s0;
	s0 =	simm.s32 @!p1 $0x0  }
0x14: {  	s2 =	sld [smem:$0x3F91];
	s0 =	simm.s32 @p1 $0x1  }
0x15: {  	[smem:$0x3FAE] =	sst s0;
	s0 =	simm.s32 @!p2 $0x0  }
0x16: {  	s3 =	sld [smem:$0x3FDB];
	s0 =	simm.s32 @p2 $0x1  }
0x17: {  	s4 =	simm.s32 $0x1BF5;
	[smem:$0x3FB0] =	sst s0  }
0x18: {  	s0 =	sld [smem:$0x3F93];
	_ =	swait.ge [sflag:s4], $0x0  }
0x19: {  	s7 =	sld [smem:$0x3F94]  }
0x1a: {  	s8 =	sadd.s32 $0xFFFFE003, lr  }
0x1b: {  	s9 =	sadd.s32 $0xFFFFFEF7, lr;
	s5 =	simm.s32 $0xFFFFFFFF;
	p2 =	slt.u32 s8, $0xFFFFF086  }
0x1c: {  	p1 =	slt.u32 s9, $0xF7A;
	s5 =	simm.s32 @!p2 $0x0  }
0x1d: {  	s5 =	simm.s32 @p1 $0x1;
	p0 =	seq.s32 s7, s2  }
0x1e: {  	s7 =	smul.u32 @!p0 $0xF7A, s2;
	p2 =	seq.s32 @!p0 s5, $0x0  }
0x1f: {  	s9 =	smul.u32 $0xF7A, s1;
	s8 =	simm.s32 @!p0 $0x1BF5;
	p2 =	por !p2, p0  }
0x20: {  	[sflag:s8] =	ssyncset.s32 @!p0 $0xFFFFF086;
	s6 =	sadd.s32 @!p0 s3, s7;
	s7 =	simm.s32 @!p0 $0x108  }
0x21: {  	s3 =	sadd.s32 s3, s9;
	s6 =	sadd.s32 @!p0 $0x88, s6;
	s7 =	simm.s32 @p2 $0x1082  }
0x22: {  	[simem:s7], [sflag:s8] =	dma.local @!p0 [hbm:s6], $0xF7A  }
0x23: {  	s9 =	sor.u32 $0xD0000000, s2;
	s6 =	simm.s32 $0x108;
	_ =	swait.ge @!p0 [sflag:s8], $0x0  }
0x24: {  	s3 =	sadd.s32 $0x88, s3;
	s6 =	simm.s32 @!p1 $0x1082;
	[sflag:s4] =	ssyncset.s32 $0xFFFFF086  }
0x25: {  	[simem:s6], [sflag:s4] =	dma.local [hbm:s3], $0xF7A  }
0x26: {  	[smem:$0x3F94] =	sst s1;
	(tag) =	ssettag s2;
	_ =	strace s9  }
0x27: {  	s1 =	sld [smem:$0x3FA4]  }
0x28: {  	s2 =	sld [smem:$0x3FA5]  }
0x29: {  	s4 =	sld [smem:$0x3FA7]  }
0x2a: {  	p0 =	seq.s32 s5, $0x0;
	s5 =	sld [smem:$0x3FA8]  }
0x2b: {  	s6 =	sld [smem:$0x3FA9]  }
0x2c: {  	s7 =	sld [smem:$0x3FAA]  }
0x2d: {  	s3 =	simm.s32 $0x108;
	s8 =	sld [smem:$0x3FAB]  }
0x2e: {  	s3 =	simm.s32 @!p0 $0x1082;
	s9 =	sld [smem:$0x3FAC]  }
0x2f: {  	lr =	sadd.s32 s0, s3;
	s0 =	sld [smem:$0x3FA3]  }
0x30: {  	s3 =	sld [smem:$0x3FA6]  }
0x31: {  	[smem:$0x3FAF] =	sst s10  }
0x32: {  	s10 =	sld [smem:$0x3FAD];
	_ =	sdelay $0x3  }
0x33: {  	p0 =	seq.s32 s10, $0x1;
	s10 =	sld [smem:$0x3FAF];
	_ =	sdelay $0x3  }
0x34: {  	[smem:$0x3FAF] =	sst s10  }
0x35: {  	s10 =	sld [smem:$0x3FAE];
	_ =	sdelay $0x3  }
0x36: {  	p1 =	seq.s32 s10, $0x1;
	s10 =	sld [smem:$0x3FAF];
	_ =	sdelay $0x3  }
0x37: {  	[smem:$0x3FAF] =	sst s10  }
0x38: {  	s10 =	sld [smem:$0x3FB0]  }
0x39: {  	_ = 	snop;
	(pc) =	sbr.ind lr, $3  }
0x3a: {  	_ = 	snop  }
0x3b: {  	_ = 	snop  }
0x3c: {  	p2 =	seq.s32 s10, $0x1;
	s10 =	sld [smem:$0x3FAF]  }
0x3d: {  	_ =	shalt  }
0x3e: {  	_ =	shalt  }
0x3f: {  	_ =	shalt  }
0x40: {  	_ =	shalt  }
0x41: {  	_ =	shalt  }
0x42: {  	_ =	shalt  }
0x43: {  	_ =	shalt  }
0x44: {  	_ =	shalt  }
0x45: {  	_ =	shalt  }
0x46: {  	_ =	shalt  }
0x47: {  	_ =	shalt  }
0x48: {  	_ =	shalt  }
0x49: {  	_ =	shalt  }
0x4a: {  	_ =	shalt  }
0x4b: {  	_ =	shalt  }
0x4c: {  	_ =	shalt  }
0x4d: {  	_ =	shalt  }
0x4e: {  	_ =	shalt  }
0x4f: {  	_ =	shalt  }
0x50: {  	_ =	shalt  }
0x51: {  	_ =	shalt  }
0x52: {  	_ =	shalt  }
0x53: {  	_ =	shalt  }
0x54: {  	_ =	shalt  }
0x55: {  	_ =	shalt  }
0x56: {  	_ =	shalt  }
0x57: {  	_ =	shalt  }
0x58: {  	_ =	shalt  }
0x59: {  	_ =	shalt  }
0x5a: {  	_ =	shalt  }
0x5b: {  	_ =	shalt  }
0x5c: {  	_ =	shalt  }
0x5d: {  	_ =	shalt  }
0x5e: {  	_ =	shalt  }
0x5f: {  	_ =	shalt  }
0x60: {  	_ =	shalt  }
0x61: {  	_ =	shalt  }
0x62: {  	_ =	shalt  }
0x63: {  	_ =	shalt  }
0x64: {  	_ =	shalt  }
0x65: {  	_ =	shalt  }
0x66: {  	_ =	shalt  }
0x67: {  	_ =	shalt  }
0x68: {  	_ =	shalt  }
0x69: {  	_ =	shalt  }
0x6a: {  	_ =	shalt  }
0x6b: {  	_ =	shalt  }
0x6c: {  	_ =	shalt  }
0x6d: {  	_ =	shalt  }
0x6e: {  	_ =	shalt  }
0x6f: {  	_ =	shalt  }
0x70: {  	_ =	shalt  }
0x71: {  	_ =	shalt  }
0x72: {  	_ =	shalt  }
0x73: {  	_ =	shalt  }
0x74: {  	_ =	shalt  }
0x75: {  	_ =	shalt  }
0x76: {  	_ =	shalt  }
0x77: {  	_ =	shalt  }
0x78: {  	_ =	shalt  }
0x79: {  	_ =	shalt  }
0x7a: {  	_ =	shalt  }
0x7b: {  	_ =	shalt  }
0x7c: {  	_ =	shalt  }
0x7d: {  	_ =	shalt  }
0x7e: {  	_ =	shalt  }
0x7f: {  	_ =	shalt  }
0x80: {  	_ =	shalt  }
0x81: {  	_ =	shalt  }
0x82: {  	_ =	shalt  }
0x83: {  	_ =	shalt  }
0x84: {  	_ =	shalt  }
0x85: {  	_ =	shalt  }
0x86: {  	_ =	shalt  }
0x87: {  	_ =	shalt  }
.Lfunc_end0:
.L_simem_size_0:
called_computation.1_lowered:
.L_overlay_start_0:
0x88: {  	s2 =	sld [smem:$0x3FD9]  }
0x89: {  	s3 =	sld [smem:$0x3FFE];
	_ =	sdelay $0x1  }
0x8a: {  	s1 =	srdreg.scid  }
0x8b: {  	s0 =	sand.u32 $0x1, s1  }
0x8c: {  	s16 =	sshll.u32 s0, $0xA;
	s2 =	sadd.s32 s3, s2  }
0x8d: {  	s2 =	sadd.s32 s2, s16  }
0x8e: {  	[smem:$0x3FBB] =	sst s2  }
0x8f: {  	_ = 	snop  }
0x90: {  	(tm) =	ssettm $0x1  }
0x91: {  	s17 =	sld [smem:$0x3FFB];
	_ =	sdelay $0x3  }
0x92: {  	_ =	strace s17  }
0x93: {  	s2 =	sld [smem:$0x3FFC];
	_ =	sdelay $0x3  }
0x94: {  	_ =	strace s2  }
0x95: {  	s2 =	sld [smem:$0x3FFD];
	_ =	sdelay $0x3  }
0x96: {  	_ =	strace s2  }
0x97: {  	_ =	strace $0x8FFFFFFF  }
0x98: {  	s18 =	sld [smem:$0x3FDB];
	_ =	sdelay $0x1  }
0x99: {  	s19 =	simm.s32 $_scs_section_size  }
0x9a: {  	s4 =	simm.s32 $_size__tile_overlayer_lowered;
	s5 =	simm.s32 $_tile_overlayer_lowered  }
0x9b: {  	s22 =	simm.s32 $0x1BFF;
	s21 =	sshll.u32 s5, $0x1;
	s2 =	sadd.s32 s19, s18  }
0x9c: {  	s6 =	simm.s32 $0x0;
	s20 =	sshll.u32 s4, $0x1;
	s4 =	sadd.s32 s21, s2  }
0x9d: {  	[timem:s6], [sflag:s22] =	dma.local [hbm:s4], s20  }
0x9e: {  	_ =	swait.ge [sflag:s22], s20  }
0x9f: {  	s3 =	ssub.s32 $0x0, s20;
	[sflag:s22] =	ssyncset.done $0x0  }
0xa0: {  	[sflag:s22] =	ssyncadd.s32 s3;
	_ =	sdelay $0x1  }
0xa1: {  	s23 =	simm.s32 $0x1B8B  }
0xa2: {  	_ =	swait.ge [sflag:s23], $0x1  }
0xa3: {  	[sflag:s23] =	ssyncset.done $0x0  }
0xa4: {  	s25 =	simm.s32 $0x1B8E;
	s24 =	sld [smem:$0x3FFE];
	[sflag:s23] =	ssyncadd.s32 $0xFFFFFFFF  }
0xa5: {  	s26 =	simm.s32 $execute0_lowered;
	[smem:$0x3FD2] =	sst s25  }
0xa6: {  	s4 =	sshll.u32 s26, $0x1;
	_ =	strace $0x80000049;
	[dreg:$0x1] =	wrdreg $0xFFFFFFFF  }
0xa7: {  	s28 =	simm.s32 $_size_execute0_lowered;
	s2 =	sadd.s32 s2, s4;
	[dreg:$0x0] =	wrdreg $0x0  }
0xa8: {  	s4 =	sshll.u32 s28, $0x1;
	[dreg:$0x2] =	wrdreg s2  }
0xa9: {  	[dreg:$0x3] =	wrdreg s4  }
0xaa: {  	[dreg:$0x4] =	wrdreg $0xC0  }
0xab: {  	_ =	task [dreg:s6], $0x5FFFF  }
0xac: {  	[dreg:$0x1] =	wrdreg $0xFFFFFFFF  }
0xad: {  	[dreg:$0x0] =	wrdreg $0x60  }
0xae: {  	[dreg:$0x2] =	wrdreg s24  }
0xaf: {  	[dreg:$0x3] =	wrdreg $0x84000  }
0xb0: {  	[dreg:$0x4] =	wrdreg $0x9  }
0xb1: {  	_ =	task.clear_ibuf [dreg:s6], $0x5FFFF;
	_ =	strace $0x90000049  }
0xb2: {  	s29 =	simm.s32 $0x9;
	_ =	strace $0x8000004B  }
0xb3: {  	_ =	swait.ge [sflag:s29], $0x1  }
0xb4: {  	[sflag:s29] =	ssyncadd.s32 $0xFFFFFFFF  }
0xb5: {  	_ =	strace $0x9000004B  }
0xb6: {  	_ =	sfence  }
0xb7: {  	s30 =	sld [smem:$0x0];
	_ =	sdelay $0x2  }
0xb8: {  	s31 =	sshll.u32 s1, $0xD;
	s1 =	sshrl.u32 s1, $0x2  }
0xb9: {  	s3 =	sand.u32 $0x4000, s31;
	s1 =	sadd.s32 s1, s30  }
0xba: {  	s0 =	sor.u32 s3, s0;
	s1 =	sshll.u32 s1, $0x11  }
0xbb: {  	s0 =	sor.u32 s1, s0  }
0xbc: {  	s0 =	sadd.s32 $0x8F2B, s0  }
0xbd: {  	[sflag:s0] =	ssyncadd.remote.s32 $0x1  }
0xbe: {  	_ =	sfence.sel $0xFFFF  }
0xbf: {  	[dreg:$0x0] =	wrdreg $0xFFFFFFFF;
	(pc) =	sbr.abs _section_cstart, $3  }
0xc0: {  	[dreg:$0x1] =	wrdreg $0xFFFFFFFF  }
0xc1: {  	_ =	task.clear_ibuf [dreg:s6], $0x2FFFF;
	_ =	strace $0x9FFFFFFF  }
0xc2: {  	(tm) =	ssettm $0x7FFFFFFF  }
0xc3: {  	_ =	shalt  }
tec
execute0_lowered:
.L_overlay_start_1:
0x0: {  	(tag) =	ssettag $0x1  }
0x1: {  	s5 =	rddreg [dreg:$0x0]  }
0x2: {  	s0 =	srdreg.scid;
	s2 =	rddreg [dreg:$0x1]  }
0x3: {  	s1 =	rddreg [dreg:$0x2];
	s3 =	simm.s32 $0x0;
	s6 =	sand.u32 $0x1, s0  }
0x4: {  	s13 =	simm.s32 $0x200;
	s0 =	stileid.u32;
	s4 =	smul.u32 $0x9E000, s6  }
0x5: {  	s14 =	simm.s32 $0x400;
	s15 =	simm.s32 $0x1;
	s7 =	smul.u32 $0x9E00, s0  }
0x6: {  	s16 =	simm.s32 $0x300;
	[smem:$0x7FF] =	sst s3;
	s26 =	smul.u32 $0x14000, s0  }
0x7: {  	s17 =	simm.s32 $0x0;
	_ =	strace $0x8000004A;
	s9 =	smul.u32 $0x140000, s6  }
0x8: {  	s6 =	ssub.s32 $0x2, s6;
	s29 =	smul.u32 $0x50000, s0;
	s31 =	sshll.u32 s0, $0x6  }
0x9: {  	s11 =	sshrl.u32 s6, $0x1;
	s4 =	sadd.s32 s7, s4;
	s28 =	sshrl.u32 s26, $0x3  }
0xa: {  	s7 =	sadd.s32 s26, s9;
	s11 =	ssub.s32 s6, s11;
	s30 =	sshrl.u32 s29, $0x2  }
0xb: {  	s6 =	sor.u32 $0x1C02, s31;
	s8 =	sshrl.u32 s4, $0x3;
	s4 =	sadd.s32 $0x52600, s5  }
0xc: {  	s7 =	sshrl.u32 s7, $0x3;
	s10 =	sadd.s32 s8, s5;
	s8 =	sadd.s32 s28, s5  }
0xd: {  	s12 =	sadd.s32 s30, s2;
	s7 =	sadd.s32 s7, s5;
	s5 =	sadd.s32 $0x2E00, s8  }
0xe: {  	s7 =	sadd.s32 $0xF2600, s7;
	s8 =	smax.u32 s11, $0x1;
	s9 =	sadd.s32 $0x2AE00, s10  }
0xf: {  	s10 =	sshrl.u32 s12, $0x3;
	s11 =	simm.s32 $0x2;
	s12 =	simm.s32 $0x100  }
.LBB2_1:
0x10: {  	[spmem:s10], [sflag:s6] =	dma.local [hbm:s5], $0x2800  }
0x11: {  	_ =	swait.ge [sflag:s11], $0x2800  }
0x12: {  	[sflag:s11] =	ssyncset.done $0x0  }
0x13: {  	[sflag:s11] =	ssyncadd.s32 $0xFFFFD800  }
0x14: {  	s18 =	sadd.s32 $0x0, s9;
	[bflag:$0x0] =	sbarrier.arrive $0xFFFF  }
0x15: {  	[tilespmem:s3], [sflag:$0x2] =	stream.linear.gather [hbm4b:s18+s3], $0x200, $0x38;
	[tilespmem:$0x1C400] =	vst v63  }
0x16: {  	_ =	swait.ge [sflag:s11], $0x200  }
0x17: {  	[sflag:s11] =	ssyncset.done $0x0  }
0x18: {  	[sflag:s11] =	ssyncadd.s32 $0xFFFFFE00  }
0x19: {  	v0 =	vld [tilespmem:$0x1F0]  }
0x1a: {  	v1 =	vld [tilespmem:$0x1E0]  }
0x1b: {  	v2 =	vld [tilespmem:$0x170]  }
0x1c: {  	v3 =	vld [tilespmem:$0x1D0]  }
0x1d: {  	v5 =	vld [tilespmem:$0x160]  }
0x1e: {  	v6 =	vld [tilespmem:$0x1C0];
	[tilespmem:$0x3F0] =	vst v0  }
0x1f: {  	v7 =	vld [tilespmem:$0x150];
	[tilespmem:$0x3E0] =	vst v1  }
0x20: {  	v8 =	vld [tilespmem:$0x1B0];
	[tilespmem:$0x2F0] =	vst v2  }
0x21: {  	v4 =	vld [tilespmem:$0x140];
	[tilespmem:$0x3D0] =	vst v3  }
0x22: {  	v0 =	vld [tilespmem:$0x1A0];
	[tilespmem:$0x2E0] =	vst v5  }
0x23: {  	v1 =	vld [tilespmem:$0x130];
	[tilespmem:$0x3C0] =	vst v6  }
0x24: {  	v2 =	vld [tilespmem:$0x190];
	[tilespmem:$0x2D0] =	vst v7  }
0x25: {  	s18 =	simm.s32 $0x40;
	v3 =	vld [tilespmem:$0x120];
	[tilespmem:$0x3B0] =	vst v8  }
.LBB2_2:
0x26: {  	p0 =	sne.s32 s18, $0x1380;
	v5 =	vld [tilespmem:$0x180];
	[tilespmem:$0x2C0] =	vst v4;
	s19 =	smov.u32 s18;
	s18 =	sadd.s32 $0x40, s18  }
0x27: {  	v4 =	vld [tilespmem:$0x110];
	[tilespmem:$0x3A0] =	vst v0  }
0x28: {  	v0 =	vld [tilespmem:$0xF0];
	[tilespmem:$0x2B0] =	vst v1  }
0x29: {  	v1 =	vld [tilespmem:$0x100];
	[tilespmem:$0x390] =	vst v2  }
0x2a: {  	v2 =	vld [tilespmem:$0x70];
	[tilespmem:$0x2A0] =	vst v3  }
0x2b: {  	v3 =	vld [tilespmem:$0xE0];
	[tilespmem:$0x380] =	vst v5  }
0x2c: {  	v5 =	vld [tilespmem:$0x60];
	[tilespmem:$0x290] =	vst v4  }
0x2d: {  	v4 =	vld [tilespmem:$0xD0];
	[tilespmem:$0x370] =	vst v0  }
0x2e: {  	v0 =	vld [tilespmem:$0x50];
	[tilespmem:$0x280] =	vst v1  }
0x2f: {  	v1 =	vld [tilespmem:$0xC0];
	[tilespmem:$0x270] =	vst v2  }
0x30: {  	v2 =	vld [tilespmem:$0x40];
	[tilespmem:$0x360] =	vst v3  }
0x31: {  	v3 =	vld [tilespmem:$0xB0];
	[tilespmem:$0x260] =	vst v5  }
0x32: {  	v5 =	vld [tilespmem:$0x30];
	[tilespmem:$0x350] =	vst v4  }
0x33: {  	v4 =	vld [tilespmem:$0xA0];
	[tilespmem:$0x250] =	vst v0  }
0x34: {  	v0 =	vld [tilespmem:$0x90];
	[tilespmem:$0x340] =	vst v1  }
0x35: {  	v1 =	vld [tilespmem:$0x20];
	[tilespmem:$0x240] =	vst v2  }
0x36: {  	v2 =	vld [tilespmem:$0x0];
	[tilespmem:$0x330] =	vst v3  }
0x37: {  	v3 =	vld [tilespmem:$0x10];
	[tilespmem:$0x230] =	vst v5  }
0x38: {  	v5 =	vld [tilespmem:$0x80];
	[tilespmem:$0x320] =	vst v4  }
0x39: {  	[tilespmem:$0x310] =	vst v0  }
0x3a: {  	[tilespmem:$0x220] =	vst v1  }
0x3b: {  	[tilespmem:$0x200] =	vst v2  }
0x3c: {  	[tilespmem:$0x210] =	vst v3  }
0x3d: {  	[tilespmem:$0x300] =	vst v5  }
0x3e: {  	[tilespmem:s14], [sflag:$0x1] =	stream.indirect.gather [hbm4b:s4+s12], $0x80, s13, s12, $0xb8;
	[tilespmem:$0x1C400] =	vst v63  }
0x3f: {  	_ =	swait.ge [sflag:s15], $0x8000  }
0x40: {  	[sflag:s15] =	ssyncset.done $0x0  }
0x41: {  	[sflag:s15] =	ssyncadd.s32 $0xFFFF8000  }
0x42: {  	[spmem:s2] =	stream.indirect.scatter.add.f32 [tilespmem:s14], [sflag:$0x2], $0x80, s16, s12, $0xb8;
	[tilespmem:$0x1C400] =	vst v63  }
0x43: {  	_ =	swait.ge [sflag:s11], $0x8000  }
0x44: {  	[sflag:s11] =	ssyncset.done $0x0  }
0x45: {  	s19 =	sadd.s32 s19, s9;
	[sflag:s11] =	ssyncadd.s32 $0xFFFF8000  }
0x46: {  	[tilespmem:s3], [sflag:$0x2] =	stream.linear.gather [hbm4b:s19+s3], $0x200, $0x38;
	[tilespmem:$0x1C400] =	vst v63  }
0x47: {  	_ =	swait.ge [sflag:s11], $0x200  }
0x48: {  	[sflag:s11] =	ssyncset.done $0x0  }
0x49: {  	[sflag:s11] =	ssyncadd.s32 $0xFFFFFE00  }
0x4a: {  	v0 =	vld [tilespmem:$0x1F0]  }
0x4b: {  	v1 =	vld [tilespmem:$0x1E0]  }
0x4c: {  	v2 =	vld [tilespmem:$0x170]  }
0x4d: {  	v3 =	vld [tilespmem:$0x1D0]  }
0x4e: {  	v5 =	vld [tilespmem:$0x160]  }
0x4f: {  	v6 =	vld [tilespmem:$0x1C0];
	[tilespmem:$0x3F0] =	vst v0  }
0x50: {  	v7 =	vld [tilespmem:$0x150];
	[tilespmem:$0x3E0] =	vst v1  }
0x51: {  	v8 =	vld [tilespmem:$0x1B0];
	[tilespmem:$0x2F0] =	vst v2  }
.Ltmp0:
0x52: {  	v4 =	vld [tilespmem:$0x140];
	[tilespmem:$0x3D0] =	vst v3;
	(pc) =	sbr.rel @p0 .LBB2_2-.Ltmp0, $4  }
0x53: {  	v0 =	vld [tilespmem:$0x1A0];
	[tilespmem:$0x2E0] =	vst v5  }
0x54: {  	v1 =	vld [tilespmem:$0x130];
	[tilespmem:$0x3C0] =	vst v6  }
0x55: {  	v2 =	vld [tilespmem:$0x190];
	[tilespmem:$0x2D0] =	vst v7  }
0x56: {  	v3 =	vld [tilespmem:$0x120];
	[tilespmem:$0x3B0] =	vst v8  }
0x57: {  	v5 =	vld [tilespmem:$0x180];
	[tilespmem:$0x2C0] =	vst v4  }
0x58: {  	v46 =	vld [tilespmem:$0x110];
	[tilespmem:$0x3A0] =	vst v0  }
0x59: {  	v47 =	vld [tilespmem:$0xF0];
	[tilespmem:$0x2B0] =	vst v1  }
0x5a: {  	v48 =	vld [tilespmem:$0x100];
	[tilespmem:$0x390] =	vst v2  }
0x5b: {  	v49 =	vld [tilespmem:$0x70];
	[tilespmem:$0x2A0] =	vst v3  }
0x5c: {  	v50 =	vld [tilespmem:$0xE0];
	[tilespmem:$0x380] =	vst v5  }
0x5d: {  	v51 =	vld [tilespmem:$0x60];
	[tilespmem:$0x290] =	vst v46  }
0x5e: {  	v52 =	vld [tilespmem:$0xD0];
	[tilespmem:$0x370] =	vst v47  }
0x5f: {  	v53 =	vld [tilespmem:$0x50];
	[tilespmem:$0x280] =	vst v48  }
0x60: {  	v54 =	vld [tilespmem:$0xC0];
	[tilespmem:$0x270] =	vst v49  }
0x61: {  	v55 =	vld [tilespmem:$0x40];
	[tilespmem:$0x360] =	vst v50  }
0x62: {  	v56 =	vld [tilespmem:$0xB0];
	[tilespmem:$0x260] =	vst v51  }
0x63: {  	v57 =	vld [tilespmem:$0x30];
	[tilespmem:$0x350] =	vst v52  }
0x64: {  	v58 =	vld [tilespmem:$0xA0];
	[tilespmem:$0x250] =	vst v53  }
0x65: {  	v59 =	vld [tilespmem:$0x90];
	[tilespmem:$0x340] =	vst v54  }
0x66: {  	v60 =	vld [tilespmem:$0x20];
	[tilespmem:$0x240] =	vst v55  }
0x67: {  	v61 =	vld [tilespmem:$0x0];
	[tilespmem:$0x330] =	vst v56  }
0x68: {  	v62 =	vld [tilespmem:$0x10];
	[tilespmem:$0x230] =	vst v57  }
0x69: {  	v63 =	vld [tilespmem:$0x80];
	[tilespmem:$0x320] =	vst v58  }
0x6a: {  	[tilespmem:$0x310] =	vst v59  }
0x6b: {  	[tilespmem:$0x220] =	vst v60  }
0x6c: {  	[tilespmem:$0x200] =	vst v61  }
0x6d: {  	[tilespmem:$0x210] =	vst v62  }
0x6e: {  	[tilespmem:$0x300] =	vst v63  }
0x6f: {  	[tilespmem:s14], [sflag:$0x1] =	stream.indirect.gather [hbm4b:s4+s12], $0x80, s13, s12, $0xb8;
	[tilespmem:$0x1C400] =	vst v63  }
0x70: {  	_ =	swait.ge [sflag:s15], $0x8000  }
0x71: {  	[sflag:s15] =	ssyncset.done $0x0  }
0x72: {  	[sflag:s15] =	ssyncadd.s32 $0xFFFF8000  }
0x73: {  	[spmem:s2] =	stream.indirect.scatter.add.f32 [tilespmem:s14], [sflag:$0x2], $0x80, s16, s12, $0xb8;
	[tilespmem:$0x1C400] =	vst v63  }
0x74: {  	_ =	swait.ge [sflag:s11], $0x8000  }
0x75: {  	s17 =	sadd.s32 $0x1, s17;
	[sflag:s11] =	ssyncset.done $0x0  }
0x76: {  	p0 =	sne.s32 s17, s8;
	[sflag:s11] =	ssyncadd.s32 $0xFFFF8000  }
.Ltmp1:
0x77: {  	[bflag:$0x0] =	sbarrier.arrive $0xFFFF;
	(pc) =	sbr.rel @p0 .LBB2_1-.Ltmp1, $4  }
0x78: {  	[hbm:s7], [sflag:s6] =	dma.local [spmem:s10], $0x2800  }
0x79: {  	_ =	swait.ge [sflag:s11], $0x2800  }
0x7a: {  	[sflag:s11] =	ssyncset.done $0x0  }
0x7b: {  	[sflag:s11] =	ssyncadd.s32 $0xFFFFD800  }
0x7c: {  	_ =	sfence.sel $0x180000  }
0x7d: {  	[bflag:$0x0] =	sbarrier.arrive $0xFFFF  }
0x7e: {  	p0 =	sne.s32 s0, $0x0;
	_ =	strace $0x9000004A  }
0x7f: {  	s0 =	sadd.s32 @!p0 $0x100000, s1;
	[bflag:$0x2] =	sbarrier.arrive $0xFFFF  }
0x80: {  	[sflag:s0] =	ssyncadd.tile.s32 @!p0 $0x1;
	_ =	shalt  }
.Lfunc_end2:
_tile_overlayer_lowered:
.L_overlay_start_2:
0x81: {  	(tag) =	ssettag $0x2  }
0x82: {  	s0 =	rddreg [dreg:$0x0];
	s2 =	stileid.u32  }
0x83: {  	s1 =	rddreg [dreg:$0x1];
	p0 =	sne.s32 s2, $0x0  }
0x84: {  	s3 =	rddreg [dreg:$0x2];
	[bflag:$0x3] =	sbarrier.arrive $0xFFFF;
	s2 =	simm.s32 @!p0 $0x1C02  }
0x85: {  	[timem:s3], [sflag:s2] =	dma.local @!p0 [hbm:s0], s1  }
0x86: {  	s0 =	simm.s32 @!p0 $0x2  }
0x87: {  	_ =	swait.ge @!p0 [sflag:s0], s1  }
0x88: {  	s1 =	ssub.s32 @!p0 $0x0, s1;
	[sflag:s0] =	ssyncset.done @!p0 $0x0  }
0x89: {  	[sflag:s0] =	ssyncadd.s32 @!p0 s1  }
0x8a: {  	[bflag:$0x3] =	sbarrier.arrive $0xFFFF  }
0x8b: {  	_ =	shalt  }

// kernel: kernel.14.cloned.1.call-start
scs
__scs_entry_jumppad:
0x0: {  	(pc) =	sbr.rel $0x88, $3  }
0x1: {  	(tag) =	ssettag $0x0;
	lr =	simm.s32 $0x1  }
0x2: {  	[smem:$0x3F94] =	sst lr;
	_ =	strace $0xD0000000  }
0x3: {  	_ = 	snop  }
0x4: {  	_ = 	snop  }
0x5: {  	_ = 	snop  }
0x6: {  	_ = 	snop  }
0x7: {  	_ = 	snop  }
__scs_overlays_trampoline_lowered:
0x8: {  	[smem:$0x3FA3] =	sst s0  }
0x9: {  	[smem:$0x3FA4] =	sst s1  }
0xa: {  	[smem:$0x3FA5] =	sst s2  }
0xb: {  	[smem:$0x3FA6] =	sst s3  }
0xc: {  	[smem:$0x3FA7] =	sst s4  }
0xd: {  	[smem:$0x3FA8] =	sst s5  }
0xe: {  	[smem:$0x3FA9] =	sst s6  }
0xf: {  	[smem:$0x3FAA] =	sst s7  }
0x10: {  	[smem:$0x3FAB] =	sst s8  }
0x11: {  	[smem:$0x3FAC] =	sst s9;
	s0 =	simm.s32 @!p0 $0x0  }
0x12: {  	s1 =	sld [smem:$0x3F92];
	s0 =	simm.s32 @p0 $0x1  }
0x13: {  	[smem:$0x3FAD] =	sst s0;
	s0 =	simm.s32 @!p1 $0x0  }
0x14: {  	s2 =	sld [smem:$0x3F91];
	s0 =	simm.s32 @p1 $0x1  }
0x15: {  	[smem:$0x3FAE] =	sst s0;
	s0 =	simm.s32 @!p2 $0x0  }
0x16: {  	s3 =	sld [smem:$0x3FDB];
	s0 =	simm.s32 @p2 $0x1  }
0x17: {  	s4 =	simm.s32 $0x1BF5;
	[smem:$0x3FB0] =	sst s0  }
0x18: {  	s0 =	sld [smem:$0x3F93];
	_ =	swait.ge [sflag:s4], $0x0  }
0x19: {  	s7 =	sld [smem:$0x3F94]  }
0x1a: {  	s8 =	sadd.s32 $0xFFFFE003, lr  }
0x1b: {  	s9 =	sadd.s32 $0xFFFFFEF7, lr;
	s5 =	simm.s32 $0xFFFFFFFF;
	p2 =	slt.u32 s8, $0xFFFFF086  }
0x1c: {  	p1 =	slt.u32 s9, $0xF7A;
	s5 =	simm.s32 @!p2 $0x0  }
0x1d: {  	s5 =	simm.s32 @p1 $0x1;
	p0 =	seq.s32 s7, s2  }
0x1e: {  	s7 =	smul.u32 @!p0 $0xF7A, s2;
	p2 =	seq.s32 @!p0 s5, $0x0  }
0x1f: {  	s9 =	smul.u32 $0xF7A, s1;
	s8 =	simm.s32 @!p0 $0x1BF5;
	p2 =	por !p2, p0  }
0x20: {  	[sflag:s8] =	ssyncset.s32 @!p0 $0xFFFFF086;
	s6 =	sadd.s32 @!p0 s3, s7;
	s7 =	simm.s32 @!p0 $0x108  }
0x21: {  	s3 =	sadd.s32 s3, s9;
	s6 =	sadd.s32 @!p0 $0x88, s6;
	s7 =	simm.s32 @p2 $0x1082  }
0x22: {  	[simem:s7], [sflag:s8] =	dma.local @!p0 [hbm:s6], $0xF7A  }
0x23: {  	s9 =	sor.u32 $0xD0000000, s2;
	s6 =	simm.s32 $0x108;
	_ =	swait.ge @!p0 [sflag:s8], $0x0  }
0x24: {  	s3 =	sadd.s32 $0x88, s3;
	s6 =	simm.s32 @!p1 $0x1082;
	[sflag:s4] =	ssyncset.s32 $0xFFFFF086  }
0x25: {  	[simem:s6], [sflag:s4] =	dma.local [hbm:s3], $0xF7A  }
0x26: {  	[smem:$0x3F94] =	sst s1;
	(tag) =	ssettag s2;
	_ =	strace s9  }
0x27: {  	s1 =	sld [smem:$0x3FA4]  }
0x28: {  	s2 =	sld [smem:$0x3FA5]  }
0x29: {  	s4 =	sld [smem:$0x3FA7]  }
0x2a: {  	p0 =	seq.s32 s5, $0x0;
	s5 =	sld [smem:$0x3FA8]  }
0x2b: {  	s6 =	sld [smem:$0x3FA9]  }
0x2c: {  	s7 =	sld [smem:$0x3FAA]  }
0x2d: {  	s3 =	simm.s32 $0x108;
	s8 =	sld [smem:$0x3FAB]  }
0x2e: {  	s3 =	simm.s32 @!p0 $0x1082;
	s9 =	sld [smem:$0x3FAC]  }
0x2f: {  	lr =	sadd.s32 s0, s3;
	s0 =	sld [smem:$0x3FA3]  }
0x30: {  	s3 =	sld [smem:$0x3FA6]  }
0x31: {  	[smem:$0x3FAF] =	sst s10  }
0x32: {  	s10 =	sld [smem:$0x3FAD];
	_ =	sdelay $0x3  }
0x33: {  	p0 =	seq.s32 s10, $0x1;
	s10 =	sld [smem:$0x3FAF];
	_ =	sdelay $0x3  }
0x34: {  	[smem:$0x3FAF] =	sst s10  }
0x35: {  	s10 =	sld [smem:$0x3FAE];
	_ =	sdelay $0x3  }
0x36: {  	p1 =	seq.s32 s10, $0x1;
	s10 =	sld [smem:$0x3FAF];
	_ =	sdelay $0x3  }
0x37: {  	[smem:$0x3FAF] =	sst s10  }
0x38: {  	s10 =	sld [smem:$0x3FB0]  }
0x39: {  	_ = 	snop;
	(pc) =	sbr.ind lr, $3  }
0x3a: {  	_ = 	snop  }
0x3b: {  	_ = 	snop  }
0x3c: {  	p2 =	seq.s32 s10, $0x1;
	s10 =	sld [smem:$0x3FAF]  }
0x3d: {  	_ =	shalt  }
0x3e: {  	_ =	shalt  }
0x3f: {  	_ =	shalt  }
0x40: {  	_ =	shalt  }
0x41: {  	_ =	shalt  }
0x42: {  	_ =	shalt  }
0x43: {  	_ =	shalt  }
0x44: {  	_ =	shalt  }
0x45: {  	_ =	shalt  }
0x46: {  	_ =	shalt  }
0x47: {  	_ =	shalt  }
0x48: {  	_ =	shalt  }
0x49: {  	_ =	shalt  }
0x4a: {  	_ =	shalt  }
0x4b: {  	_ =	shalt  }
0x4c: {  	_ =	shalt  }
0x4d: {  	_ =	shalt  }
0x4e: {  	_ =	shalt  }
0x4f: {  	_ =	shalt  }
0x50: {  	_ =	shalt  }
0x51: {  	_ =	shalt  }
0x52: {  	_ =	shalt  }
0x53: {  	_ =	shalt  }
0x54: {  	_ =	shalt  }
0x55: {  	_ =	shalt  }
0x56: {  	_ =	shalt  }
0x57: {  	_ =	shalt  }
0x58: {  	_ =	shalt  }
0x59: {  	_ =	shalt  }
0x5a: {  	_ =	shalt  }
0x5b: {  	_ =	shalt  }
0x5c: {  	_ =	shalt  }
0x5d: {  	_ =	shalt  }
0x5e: {  	_ =	shalt  }
0x5f: {  	_ =	shalt  }
0x60: {  	_ =	shalt  }
0x61: {  	_ =	shalt  }
0x62: {  	_ =	shalt  }
0x63: {  	_ =	shalt  }
0x64: {  	_ =	shalt  }
0x65: {  	_ =	shalt  }
0x66: {  	_ =	shalt  }
0x67: {  	_ =	shalt  }
0x68: {  	_ =	shalt  }
0x69: {  	_ =	shalt  }
0x6a: {  	_ =	shalt  }
0x6b: {  	_ =	shalt  }
0x6c: {  	_ =	shalt  }
0x6d: {  	_ =	shalt  }
0x6e: {  	_ =	shalt  }
0x6f: {  	_ =	shalt  }
0x70: {  	_ =	shalt  }
0x71: {  	_ =	shalt  }
0x72: {  	_ =	shalt  }
0x73: {  	_ =	shalt  }
0x74: {  	_ =	shalt  }
0x75: {  	_ =	shalt  }
0x76: {  	_ =	shalt  }
0x77: {  	_ =	shalt  }
0x78: {  	_ =	shalt  }
0x79: {  	_ =	shalt  }
0x7a: {  	_ =	shalt  }
0x7b: {  	_ =	shalt  }
0x7c: {  	_ =	shalt  }
0x7d: {  	_ =	shalt  }
0x7e: {  	_ =	shalt  }
0x7f: {  	_ =	shalt  }
0x80: {  	_ =	shalt  }
0x81: {  	_ =	shalt  }
0x82: {  	_ =	shalt  }
0x83: {  	_ =	shalt  }
0x84: {  	_ =	shalt  }
0x85: {  	_ =	shalt  }
0x86: {  	_ =	shalt  }
0x87: {  	_ =	shalt  }
.Lfunc_end0:
.L_simem_size_0:
called_computation.2_lowered:
.L_overlay_start_0:
0x88: {  	s2 =	sld [smem:$0x3FD9]  }
0x89: {  	s3 =	sld [smem:$0x3FFE];
	_ =	sdelay $0x1  }
0x8a: {  	s1 =	srdreg.scid  }
0x8b: {  	s0 =	sand.u32 $0x1, s1  }
0x8c: {  	s16 =	sshll.u32 s0, $0xA;
	s2 =	sadd.s32 s3, s2  }
0x8d: {  	s2 =	sadd.s32 s2, s16  }
0x8e: {  	[smem:$0x3FBB] =	sst s2  }
0x8f: {  	_ = 	snop  }
0x90: {  	(tm) =	ssettm $0x1  }
0x91: {  	s17 =	sld [smem:$0x3FFB];
	_ =	sdelay $0x3  }
0x92: {  	_ =	strace s17  }
0x93: {  	s2 =	sld [smem:$0x3FFC];
	_ =	sdelay $0x3  }
0x94: {  	_ =	strace s2  }
0x95: {  	s2 =	sld [smem:$0x3FFD];
	_ =	sdelay $0x3  }
0x96: {  	_ =	strace s2  }
0x97: {  	_ =	strace $0x8FFFFFFF  }
0x98: {  	s18 =	sld [smem:$0x3FDB];
	_ =	sdelay $0x1  }
0x99: {  	s19 =	simm.s32 $_scs_section_size  }
0x9a: {  	s4 =	simm.s32 $_size__tile_overlayer_lowered;
	s5 =	simm.s32 $_tile_overlayer_lowered  }
0x9b: {  	s22 =	simm.s32 $0x1BFF;
	s21 =	sshll.u32 s5, $0x1;
	s2 =	sadd.s32 s19, s18  }
0x9c: {  	s6 =	simm.s32 $0x0;
	s20 =	sshll.u32 s4, $0x1;
	s4 =	sadd.s32 s21, s2  }
0x9d: {  	[timem:s6], [sflag:s22] =	dma.local [hbm:s4], s20  }
0x9e: {  	_ =	swait.ge [sflag:s22], s20  }
0x9f: {  	s3 =	ssub.s32 $0x0, s20;
	[sflag:s22] =	ssyncset.done $0x0  }
0xa0: {  	[sflag:s22] =	ssyncadd.s32 s3;
	_ =	sdelay $0x1  }
0xa1: {  	s23 =	simm.s32 $0x1B8B  }
0xa2: {  	_ =	swait.ge [sflag:s23], $0x1  }
0xa3: {  	[sflag:s23] =	ssyncset.done $0x0  }
0xa4: {  	s25 =	simm.s32 $0x1B8E;
	s24 =	sld [smem:$0x3FFE];
	[sflag:s23] =	ssyncadd.s32 $0xFFFFFFFF  }
0xa5: {  	s26 =	simm.s32 $execute0_lowered;
	[smem:$0x3FD2] =	sst s25  }
0xa6: {  	s4 =	sshll.u32 s26, $0x1;
	_ =	strace $0x8000004C;
	[dreg:$0x1] =	wrdreg $0xFFFFFFFF  }
0xa7: {  	s28 =	simm.s32 $_size_execute0_lowered;
	s2 =	sadd.s32 s2, s4;
	[dreg:$0x0] =	wrdreg $0x0  }
0xa8: {  	s4 =	sshll.u32 s28, $0x1;
	[dreg:$0x2] =	wrdreg s2  }
0xa9: {  	[dreg:$0x3] =	wrdreg s4  }
0xaa: {  	[dreg:$0x4] =	wrdreg $0xC0  }
0xab: {  	_ =	task [dreg:s6], $0x5FFFF  }
0xac: {  	[dreg:$0x1] =	wrdreg $0xFFFFFFFF  }
0xad: {  	[dreg:$0x0] =	wrdreg $0x60  }
0xae: {  	[dreg:$0x2] =	wrdreg s24  }
0xaf: {  	[dreg:$0x3] =	wrdreg $0x84000  }
0xb0: {  	[dreg:$0x4] =	wrdreg $0x9  }
0xb1: {  	_ =	task.clear_ibuf [dreg:s6], $0x5FFFF;
	_ =	strace $0x9000004C  }
0xb2: {  	s29 =	simm.s32 $0x9;
	_ =	strace $0x8000004E  }
0xb3: {  	_ =	swait.ge [sflag:s29], $0x1  }
0xb4: {  	[sflag:s29] =	ssyncadd.s32 $0xFFFFFFFF  }
0xb5: {  	_ =	strace $0x9000004E  }
0xb6: {  	_ =	sfence  }
0xb7: {  	s30 =	sld [smem:$0x0];
	_ =	sdelay $0x2  }
0xb8: {  	s31 =	sshll.u32 s1, $0xD;
	s1 =	sshrl.u32 s1, $0x2  }
0xb9: {  	s3 =	sand.u32 $0x4000, s31;
	s1 =	sadd.s32 s1, s30  }
0xba: {  	s0 =	sor.u32 s3, s0;
	s1 =	sshll.u32 s1, $0x11  }
0xbb: {  	s0 =	sor.u32 s1, s0  }
0xbc: {  	s0 =	sadd.s32 $0x8F2B, s0  }
0xbd: {  	[sflag:s0] =	ssyncadd.remote.s32 $0x1  }
0xbe: {  	_ =	sfence.sel $0xFFFF  }
0xbf: {  	[dreg:$0x0] =	wrdreg $0xFFFFFFFF;
	(pc) =	sbr.abs _section_cstart, $3  }
0xc0: {  	[dreg:$0x1] =	wrdreg $0xFFFFFFFF  }
0xc1: {  	_ =	task.clear_ibuf [dreg:s6], $0x2FFFF;
	_ =	strace $0x9FFFFFFF  }
0xc2: {  	(tm) =	ssettm $0x7FFFFFFF  }
0xc3: {  	_ =	shalt  }
tec
execute0_lowered:
.L_overlay_start_1:
0x0: {  	(tag) =	ssettag $0x1  }
0x1: {  	s5 =	rddreg [dreg:$0x0]  }
0x2: {  	s0 =	srdreg.scid;
	s2 =	rddreg [dreg:$0x1]  }
0x3: {  	s1 =	rddreg [dreg:$0x2];
	s3 =	simm.s32 $0x0;
	s6 =	sand.u32 $0x1, s0  }
0x4: {  	s13 =	simm.s32 $0x200;
	s0 =	stileid.u32;
	s4 =	smul.u32 $0x9E000, s6  }
0x5: {  	s14 =	simm.s32 $0x400;
	s15 =	simm.s32 $0x1;
	s7 =	smul.u32 $0x9E00, s0  }
0x6: {  	s16 =	simm.s32 $0x300;
	[smem:$0x7FF] =	sst s3;
	s26 =	smul.u32 $0x14000, s0  }
0x7: {  	s17 =	simm.s32 $0x0;
	_ =	strace $0x8000004D;
	s9 =	smul.u32 $0x140000, s6  }
0x8: {  	s6 =	ssub.s32 $0x2, s6;
	s29 =	smul.u32 $0x50000, s0;
	s31 =	sshll.u32 s0, $0x6  }
0x9: {  	s11 =	sshrl.u32 s6, $0x1;
	s4 =	sadd.s32 s7, s4;
	s28 =	sshrl.u32 s26, $0x3  }
0xa: {  	s7 =	sadd.s32 s26, s9;
	s11 =	ssub.s32 s6, s11;
	s30 =	sshrl.u32 s29, $0x2  }
0xb: {  	s6 =	sor.u32 $0x1C02, s31;
	s8 =	sshrl.u32 s4, $0x3;
	s4 =	sadd.s32 $0x52600, s5  }
0xc: {  	s7 =	sshrl.u32 s7, $0x3;
	s10 =	sadd.s32 s8, s5;
	s8 =	sadd.s32 s28, s5  }
0xd: {  	s12 =	sadd.s32 s30, s2;
	s7 =	sadd.s32 s7, s5;
	s5 =	sadd.s32 $0x2E00, s8  }
0xe: {  	s7 =	sadd.s32 $0x142600, s7;
	s8 =	smax.u32 s11, $0x1;
	s9 =	sadd.s32 $0x2AE00, s10  }
0xf: {  	s10 =	sshrl.u32 s12, $0x3;
	s11 =	simm.s32 $0x2;
	s12 =	simm.s32 $0x100  }
.LBB2_1:
0x10: {  	[spmem:s10], [sflag:s6] =	dma.local [hbm:s5], $0x2800  }
0x11: {  	_ =	swait.ge [sflag:s11], $0x2800  }
0x12: {  	[sflag:s11] =	ssyncset.done $0x0  }
0x13: {  	[sflag:s11] =	ssyncadd.s32 $0xFFFFD800  }
0x14: {  	s18 =	sadd.s32 $0x0, s9;
	[bflag:$0x0] =	sbarrier.arrive $0xFFFF  }
0x15: {  	[tilespmem:s3], [sflag:$0x2] =	stream.linear.gather [hbm4b:s18+s3], $0x200, $0x38;
	[tilespmem:$0x1C400] =	vst v63  }
0x16: {  	_ =	swait.ge [sflag:s11], $0x200  }
0x17: {  	[sflag:s11] =	ssyncset.done $0x0  }
0x18: {  	[sflag:s11] =	ssyncadd.s32 $0xFFFFFE00  }
0x19: {  	v0 =	vld [tilespmem:$0x1F0]  }
0x1a: {  	v1 =	vld [tilespmem:$0x1E0]  }
0x1b: {  	v2 =	vld [tilespmem:$0x170]  }
0x1c: {  	v3 =	vld [tilespmem:$0x1D0]  }
0x1d: {  	v5 =	vld [tilespmem:$0x160]  }
0x1e: {  	v6 =	vld [tilespmem:$0x1C0];
	[tilespmem:$0x3F0] =	vst v0  }
0x1f: {  	v7 =	vld [tilespmem:$0x150];
	[tilespmem:$0x3E0] =	vst v1  }
0x20: {  	v8 =	vld [tilespmem:$0x1B0];
	[tilespmem:$0x2F0] =	vst v2  }
0x21: {  	v4 =	vld [tilespmem:$0x140];
	[tilespmem:$0x3D0] =	vst v3  }
0x22: {  	v0 =	vld [tilespmem:$0x1A0];
	[tilespmem:$0x2E0] =	vst v5  }
0x23: {  	v1 =	vld [tilespmem:$0x130];
	[tilespmem:$0x3C0] =	vst v6  }
0x24: {  	v2 =	vld [tilespmem:$0x190];
	[tilespmem:$0x2D0] =	vst v7  }
0x25: {  	s18 =	simm.s32 $0x40;
	v3 =	vld [tilespmem:$0x120];
	[tilespmem:$0x3B0] =	vst v8  }
.LBB2_2:
0x26: {  	p0 =	sne.s32 s18, $0x1380;
	v5 =	vld [tilespmem:$0x180];
	[tilespmem:$0x2C0] =	vst v4;
	s19 =	smov.u32 s18;
	s18 =	sadd.s32 $0x40, s18  }
0x27: {  	v4 =	vld [tilespmem:$0x110];
	[tilespmem:$0x3A0] =	vst v0  }
0x28: {  	v0 =	vld [tilespmem:$0xF0];
	[tilespmem:$0x2B0] =	vst v1  }
0x29: {  	v1 =	vld [tilespmem:$0x100];
	[tilespmem:$0x390] =	vst v2  }
0x2a: {  	v2 =	vld [tilespmem:$0x70];
	[tilespmem:$0x2A0] =	vst v3  }
0x2b: {  	v3 =	vld [tilespmem:$0xE0];
	[tilespmem:$0x380] =	vst v5  }
0x2c: {  	v5 =	vld [tilespmem:$0x60];
	[tilespmem:$0x290] =	vst v4  }
0x2d: {  	v4 =	vld [tilespmem:$0xD0];
	[tilespmem:$0x370] =	vst v0  }
0x2e: {  	v0 =	vld [tilespmem:$0x50];
	[tilespmem:$0x280] =	vst v1  }
0x2f: {  	v1 =	vld [tilespmem:$0xC0];
	[tilespmem:$0x270] =	vst v2  }
0x30: {  	v2 =	vld [tilespmem:$0x40];
	[tilespmem:$0x360] =	vst v3  }
0x31: {  	v3 =	vld [tilespmem:$0xB0];
	[tilespmem:$0x260] =	vst v5  }
0x32: {  	v5 =	vld [tilespmem:$0x30];
	[tilespmem:$0x350] =	vst v4  }
0x33: {  	v4 =	vld [tilespmem:$0xA0];
	[tilespmem:$0x250] =	vst v0  }
0x34: {  	v0 =	vld [tilespmem:$0x90];
	[tilespmem:$0x340] =	vst v1  }
0x35: {  	v1 =	vld [tilespmem:$0x20];
	[tilespmem:$0x240] =	vst v2  }
0x36: {  	v2 =	vld [tilespmem:$0x0];
	[tilespmem:$0x330] =	vst v3  }
0x37: {  	v3 =	vld [tilespmem:$0x10];
	[tilespmem:$0x230] =	vst v5  }
0x38: {  	v5 =	vld [tilespmem:$0x80];
	[tilespmem:$0x320] =	vst v4  }
0x39: {  	[tilespmem:$0x310] =	vst v0  }
0x3a: {  	[tilespmem:$0x220] =	vst v1  }
0x3b: {  	[tilespmem:$0x200] =	vst v2  }
0x3c: {  	[tilespmem:$0x210] =	vst v3  }
0x3d: {  	[tilespmem:$0x300] =	vst v5  }
0x3e: {  	[tilespmem:s14], [sflag:$0x1] =	stream.indirect.gather [hbm4b:s4+s12], $0x80, s13, s12, $0xb8;
	[tilespmem:$0x1C400] =	vst v63  }
0x3f: {  	_ =	swait.ge [sflag:s15], $0x8000  }
0x40: {  	[sflag:s15] =	ssyncset.done $0x0  }
0x41: {  	[sflag:s15] =	ssyncadd.s32 $0xFFFF8000  }
0x42: {  	[spmem:s2] =	stream.indirect.scatter.add.f32 [tilespmem:s14], [sflag:$0x2], $0x80, s16, s12, $0xb8;
	[tilespmem:$0x1C400] =	vst v63  }
0x43: {  	_ =	swait.ge [sflag:s11], $0x8000  }
0x44: {  	[sflag:s11] =	ssyncset.done $0x0  }
0x45: {  	s19 =	sadd.s32 s19, s9;
	[sflag:s11] =	ssyncadd.s32 $0xFFFF8000  }
0x46: {  	[tilespmem:s3], [sflag:$0x2] =	stream.linear.gather [hbm4b:s19+s3], $0x200, $0x38;
	[tilespmem:$0x1C400] =	vst v63  }
0x47: {  	_ =	swait.ge [sflag:s11], $0x200  }
0x48: {  	[sflag:s11] =	ssyncset.done $0x0  }
0x49: {  	[sflag:s11] =	ssyncadd.s32 $0xFFFFFE00  }
0x4a: {  	v0 =	vld [tilespmem:$0x1F0]  }
0x4b: {  	v1 =	vld [tilespmem:$0x1E0]  }
0x4c: {  	v2 =	vld [tilespmem:$0x170]  }
0x4d: {  	v3 =	vld [tilespmem:$0x1D0]  }
0x4e: {  	v5 =	vld [tilespmem:$0x160]  }
0x4f: {  	v6 =	vld [tilespmem:$0x1C0];
	[tilespmem:$0x3F0] =	vst v0  }
0x50: {  	v7 =	vld [tilespmem:$0x150];
	[tilespmem:$0x3E0] =	vst v1  }
0x51: {  	v8 =	vld [tilespmem:$0x1B0];
	[tilespmem:$0x2F0] =	vst v2  }
.Ltmp0:
0x52: {  	v4 =	vld [tilespmem:$0x140];
	[tilespmem:$0x3D0] =	vst v3;
	(pc) =	sbr.rel @p0 .LBB2_2-.Ltmp0, $4  }
0x53: {  	v0 =	vld [tilespmem:$0x1A0];
	[tilespmem:$0x2E0] =	vst v5  }
0x54: {  	v1 =	vld [tilespmem:$0x130];
	[tilespmem:$0x3C0] =	vst v6  }
0x55: {  	v2 =	vld [tilespmem:$0x190];
	[tilespmem:$0x2D0] =	vst v7  }
0x56: {  	v3 =	vld [tilespmem:$0x120];
	[tilespmem:$0x3B0] =	vst v8  }
0x57: {  	v5 =	vld [tilespmem:$0x180];
	[tilespmem:$0x2C0] =	vst v4  }
0x58: {  	v46 =	vld [tilespmem:$0x110];
	[tilespmem:$0x3A0] =	vst v0  }
0x59: {  	v47 =	vld [tilespmem:$0xF0];
	[tilespmem:$0x2B0] =	vst v1  }
0x5a: {  	v48 =	vld [tilespmem:$0x100];
	[tilespmem:$0x390] =	vst v2  }
0x5b: {  	v49 =	vld [tilespmem:$0x70];
	[tilespmem:$0x2A0] =	vst v3  }
0x5c: {  	v50 =	vld [tilespmem:$0xE0];
	[tilespmem:$0x380] =	vst v5  }
0x5d: {  	v51 =	vld [tilespmem:$0x60];
	[tilespmem:$0x290] =	vst v46  }
0x5e: {  	v52 =	vld [tilespmem:$0xD0];
	[tilespmem:$0x370] =	vst v47  }
0x5f: {  	v53 =	vld [tilespmem:$0x50];
	[tilespmem:$0x280] =	vst v48  }
0x60: {  	v54 =	vld [tilespmem:$0xC0];
	[tilespmem:$0x270] =	vst v49  }
0x61: {  	v55 =	vld [tilespmem:$0x40];
	[tilespmem:$0x360] =	vst v50  }
0x62: {  	v56 =	vld [tilespmem:$0xB0];
	[tilespmem:$0x260] =	vst v51  }
0x63: {  	v57 =	vld [tilespmem:$0x30];
	[tilespmem:$0x350] =	vst v52  }
0x64: {  	v58 =	vld [tilespmem:$0xA0];
	[tilespmem:$0x250] =	vst v53  }
0x65: {  	v59 =	vld [tilespmem:$0x90];
	[tilespmem:$0x340] =	vst v54  }
0x66: {  	v60 =	vld [tilespmem:$0x20];
	[tilespmem:$0x240] =	vst v55  }
0x67: {  	v61 =	vld [tilespmem:$0x0];
	[tilespmem:$0x330] =	vst v56  }
0x68: {  	v62 =	vld [tilespmem:$0x10];
	[tilespmem:$0x230] =	vst v57  }
0x69: {  	v63 =	vld [tilespmem:$0x80];
	[tilespmem:$0x320] =	vst v58  }
0x6a: {  	[tilespmem:$0x310] =	vst v59  }
0x6b: {  	[tilespmem:$0x220] =	vst v60  }
0x6c: {  	[tilespmem:$0x200] =	vst v61  }
0x6d: {  	[tilespmem:$0x210] =	vst v62  }
0x6e: {  	[tilespmem:$0x300] =	vst v63  }
0x6f: {  	[tilespmem:s14], [sflag:$0x1] =	stream.indirect.gather [hbm4b:s4+s12], $0x80, s13, s12, $0xb8;
	[tilespmem:$0x1C400] =	vst v63  }
0x70: {  	_ =	swait.ge [sflag:s15], $0x8000  }
0x71: {  	[sflag:s15] =	ssyncset.done $0x0  }
0x72: {  	[sflag:s15] =	ssyncadd.s32 $0xFFFF8000  }
0x73: {  	[spmem:s2] =	stream.indirect.scatter.add.f32 [tilespmem:s14], [sflag:$0x2], $0x80, s16, s12, $0xb8;
	[tilespmem:$0x1C400] =	vst v63  }
0x74: {  	_ =	swait.ge [sflag:s11], $0x8000  }
0x75: {  	s17 =	sadd.s32 $0x1, s17;
	[sflag:s11] =	ssyncset.done $0x0  }
0x76: {  	p0 =	sne.s32 s17, s8;
	[sflag:s11] =	ssyncadd.s32 $0xFFFF8000  }
.Ltmp1:
0x77: {  	[bflag:$0x0] =	sbarrier.arrive $0xFFFF;
	(pc) =	sbr.rel @p0 .LBB2_1-.Ltmp1, $4  }
0x78: {  	[hbm:s7], [sflag:s6] =	dma.local [spmem:s10], $0x2800  }
0x79: {  	_ =	swait.ge [sflag:s11], $0x2800  }
0x7a: {  	[sflag:s11] =	ssyncset.done $0x0  }
0x7b: {  	[sflag:s11] =	ssyncadd.s32 $0xFFFFD800  }
0x7c: {  	_ =	sfence.sel $0x180000  }
0x7d: {  	[bflag:$0x0] =	sbarrier.arrive $0xFFFF  }
0x7e: {  	p0 =	sne.s32 s0, $0x0;
	_ =	strace $0x9000004D  }
0x7f: {  	s0 =	sadd.s32 @!p0 $0x100000, s1;
	[bflag:$0x2] =	sbarrier.arrive $0xFFFF  }
0x80: {  	[sflag:s0] =	ssyncadd.tile.s32 @!p0 $0x1;
	_ =	shalt  }
.Lfunc_end2:
_tile_overlayer_lowered:
.L_overlay_start_2:
0x81: {  	(tag) =	ssettag $0x2  }
0x82: {  	s0 =	rddreg [dreg:$0x0];
	s2 =	stileid.u32  }
0x83: {  	s1 =	rddreg [dreg:$0x1];
	p0 =	sne.s32 s2, $0x0  }
0x84: {  	s3 =	rddreg [dreg:$0x2];
	[bflag:$0x3] =	sbarrier.arrive $0xFFFF;
	s2 =	simm.s32 @!p0 $0x1C02  }
0x85: {  	[timem:s3], [sflag:s2] =	dma.local @!p0 [hbm:s0], s1  }
0x86: {  	s0 =	simm.s32 @!p0 $0x2  }
0x87: {  	_ =	swait.ge @!p0 [sflag:s0], s1  }
0x88: {  	s1 =	ssub.s32 @!p0 $0x0, s1;
	[sflag:s0] =	ssyncset.done @!p0 $0x0  }
0x89: {  	[sflag:s0] =	ssyncadd.s32 @!p0 s1  }
0x8a: {  	[bflag:$0x3] =	sbarrier.arrive $0xFFFF  }
0x8b: {  	_ =	shalt  }

// kernel: kernel.8.cloned.1.call-start
scs
__scs_entry_jumppad:
0x0: {  	(pc) =	sbr.rel $0x88, $3  }
0x1: {  	(tag) =	ssettag $0x0;
	lr =	simm.s32 $0x1  }
0x2: {  	[smem:$0x3F94] =	sst lr;
	_ =	strace $0xD0000000  }
0x3: {  	_ = 	snop  }
0x4: {  	_ = 	snop  }
0x5: {  	_ = 	snop  }
0x6: {  	_ = 	snop  }
0x7: {  	_ = 	snop  }
__scs_overlays_trampoline_lowered:
0x8: {  	[smem:$0x3FA3] =	sst s0  }
0x9: {  	[smem:$0x3FA4] =	sst s1  }
0xa: {  	[smem:$0x3FA5] =	sst s2  }
0xb: {  	[smem:$0x3FA6] =	sst s3  }
0xc: {  	[smem:$0x3FA7] =	sst s4  }
0xd: {  	[smem:$0x3FA8] =	sst s5  }
0xe: {  	[smem:$0x3FA9] =	sst s6  }
0xf: {  	[smem:$0x3FAA] =	sst s7  }
0x10: {  	[smem:$0x3FAB] =	sst s8  }
0x11: {  	[smem:$0x3FAC] =	sst s9;
	s0 =	simm.s32 @!p0 $0x0  }
0x12: {  	s1 =	sld [smem:$0x3F92];
	s0 =	simm.s32 @p0 $0x1  }
0x13: {  	[smem:$0x3FAD] =	sst s0;
	s0 =	simm.s32 @!p1 $0x0  }
0x14: {  	s2 =	sld [smem:$0x3F91];
	s0 =	simm.s32 @p1 $0x1  }
0x15: {  	[smem:$0x3FAE] =	sst s0;
	s0 =	simm.s32 @!p2 $0x0  }
0x16: {  	s3 =	sld [smem:$0x3FDB];
	s0 =	simm.s32 @p2 $0x1  }
0x17: {  	s4 =	simm.s32 $0x1BF5;
	[smem:$0x3FB0] =	sst s0  }
0x18: {  	s0 =	sld [smem:$0x3F93];
	_ =	swait.ge [sflag:s4], $0x0  }
0x19: {  	s7 =	sld [smem:$0x3F94]  }
0x1a: {  	s8 =	sadd.s32 $0xFFFFE003, lr  }
0x1b: {  	s9 =	sadd.s32 $0xFFFFFEF7, lr;
	s5 =	simm.s32 $0xFFFFFFFF;
	p2 =	slt.u32 s8, $0xFFFFF086  }
0x1c: {  	p1 =	slt.u32 s9, $0xF7A;
	s5 =	simm.s32 @!p2 $0x0  }
0x1d: {  	s5 =	simm.s32 @p1 $0x1;
	p0 =	seq.s32 s7, s2  }
0x1e: {  	s7 =	smul.u32 @!p0 $0xF7A, s2;
	p2 =	seq.s32 @!p0 s5, $0x0  }
0x1f: {  	s9 =	smul.u32 $0xF7A, s1;
	s8 =	simm.s32 @!p0 $0x1BF5;
	p2 =	por !p2, p0  }
0x20: {  	[sflag:s8] =	ssyncset.s32 @!p0 $0xFFFFF086;
	s6 =	sadd.s32 @!p0 s3, s7;
	s7 =	simm.s32 @!p0 $0x108  }
0x21: {  	s3 =	sadd.s32 s3, s9;
	s6 =	sadd.s32 @!p0 $0x88, s6;
	s7 =	simm.s32 @p2 $0x1082  }
0x22: {  	[simem:s7], [sflag:s8] =	dma.local @!p0 [hbm:s6], $0xF7A  }
0x23: {  	s9 =	sor.u32 $0xD0000000, s2;
	s6 =	simm.s32 $0x108;
	_ =	swait.ge @!p0 [sflag:s8], $0x0  }
0x24: {  	s3 =	sadd.s32 $0x88, s3;
	s6 =	simm.s32 @!p1 $0x1082;
	[sflag:s4] =	ssyncset.s32 $0xFFFFF086  }
0x25: {  	[simem:s6], [sflag:s4] =	dma.local [hbm:s3], $0xF7A  }
0x26: {  	[smem:$0x3F94] =	sst s1;
	(tag) =	ssettag s2;
	_ =	strace s9  }
0x27: {  	s1 =	sld [smem:$0x3FA4]  }
0x28: {  	s2 =	sld [smem:$0x3FA5]  }
0x29: {  	s4 =	sld [smem:$0x3FA7]  }
0x2a: {  	p0 =	seq.s32 s5, $0x0;
	s5 =	sld [smem:$0x3FA8]  }
0x2b: {  	s6 =	sld [smem:$0x3FA9]  }
0x2c: {  	s7 =	sld [smem:$0x3FAA]  }
0x2d: {  	s3 =	simm.s32 $0x108;
	s8 =	sld [smem:$0x3FAB]  }
0x2e: {  	s3 =	simm.s32 @!p0 $0x1082;
	s9 =	sld [smem:$0x3FAC]  }
0x2f: {  	lr =	sadd.s32 s0, s3;
	s0 =	sld [smem:$0x3FA3]  }
0x30: {  	s3 =	sld [smem:$0x3FA6]  }
0x31: {  	[smem:$0x3FAF] =	sst s10  }
0x32: {  	s10 =	sld [smem:$0x3FAD];
	_ =	sdelay $0x3  }
0x33: {  	p0 =	seq.s32 s10, $0x1;
	s10 =	sld [smem:$0x3FAF];
	_ =	sdelay $0x3  }
0x34: {  	[smem:$0x3FAF] =	sst s10  }
0x35: {  	s10 =	sld [smem:$0x3FAE];
	_ =	sdelay $0x3  }
0x36: {  	p1 =	seq.s32 s10, $0x1;
	s10 =	sld [smem:$0x3FAF];
	_ =	sdelay $0x3  }
0x37: {  	[smem:$0x3FAF] =	sst s10  }
0x38: {  	s10 =	sld [smem:$0x3FB0]  }
0x39: {  	_ = 	snop;
	(pc) =	sbr.ind lr, $3  }
0x3a: {  	_ = 	snop  }
0x3b: {  	_ = 	snop  }
0x3c: {  	p2 =	seq.s32 s10, $0x1;
	s10 =	sld [smem:$0x3FAF]  }
0x3d: {  	_ =	shalt  }
0x3e: {  	_ =	shalt  }
0x3f: {  	_ =	shalt  }
0x40: {  	_ =	shalt  }
0x41: {  	_ =	shalt  }
0x42: {  	_ =	shalt  }
0x43: {  	_ =	shalt  }
0x44: {  	_ =	shalt  }
0x45: {  	_ =	shalt  }
0x46: {  	_ =	shalt  }
0x47: {  	_ =	shalt  }
0x48: {  	_ =	shalt  }
0x49: {  	_ =	shalt  }
0x4a: {  	_ =	shalt  }
0x4b: {  	_ =	shalt  }
0x4c: {  	_ =	shalt  }
0x4d: {  	_ =	shalt  }
0x4e: {  	_ =	shalt  }
0x4f: {  	_ =	shalt  }
0x50: {  	_ =	shalt  }
0x51: {  	_ =	shalt  }
0x52: {  	_ =	shalt  }
0x53: {  	_ =	shalt  }
0x54: {  	_ =	shalt  }
0x55: {  	_ =	shalt  }
0x56: {  	_ =	shalt  }
0x57: {  	_ =	shalt  }
0x58: {  	_ =	shalt  }
0x59: {  	_ =	shalt  }
0x5a: {  	_ =	shalt  }
0x5b: {  	_ =	shalt  }
0x5c: {  	_ =	shalt  }
0x5d: {  	_ =	shalt  }
0x5e: {  	_ =	shalt  }
0x5f: {  	_ =	shalt  }
0x60: {  	_ =	shalt  }
0x61: {  	_ =	shalt  }
0x62: {  	_ =	shalt  }
0x63: {  	_ =	shalt  }
0x64: {  	_ =	shalt  }
0x65: {  	_ =	shalt  }
0x66: {  	_ =	shalt  }
0x67: {  	_ =	shalt  }
0x68: {  	_ =	shalt  }
0x69: {  	_ =	shalt  }
0x6a: {  	_ =	shalt  }
0x6b: {  	_ =	shalt  }
0x6c: {  	_ =	shalt  }
0x6d: {  	_ =	shalt  }
0x6e: {  	_ =	shalt  }
0x6f: {  	_ =	shalt  }
0x70: {  	_ =	shalt  }
0x71: {  	_ =	shalt  }
0x72: {  	_ =	shalt  }
0x73: {  	_ =	shalt  }
0x74: {  	_ =	shalt  }
0x75: {  	_ =	shalt  }
0x76: {  	_ =	shalt  }
0x77: {  	_ =	shalt  }
0x78: {  	_ =	shalt  }
0x79: {  	_ =	shalt  }
0x7a: {  	_ =	shalt  }
0x7b: {  	_ =	shalt  }
0x7c: {  	_ =	shalt  }
0x7d: {  	_ =	shalt  }
0x7e: {  	_ =	shalt  }
0x7f: {  	_ =	shalt  }
0x80: {  	_ =	shalt  }
0x81: {  	_ =	shalt  }
0x82: {  	_ =	shalt  }
0x83: {  	_ =	shalt  }
0x84: {  	_ =	shalt  }
0x85: {  	_ =	shalt  }
0x86: {  	_ =	shalt  }
0x87: {  	_ =	shalt  }
.Lfunc_end0:
.L_simem_size_0:
called_computation_lowered:
.L_overlay_start_0:
0x88: {  	s2 =	sld [smem:$0x3FD9]  }
0x89: {  	s3 =	sld [smem:$0x3FFE];
	_ =	sdelay $0x1  }
0x8a: {  	s1 =	srdreg.scid  }
0x8b: {  	s0 =	sand.u32 $0x1, s1  }
0x8c: {  	s14 =	sshll.u32 s0, $0xA;
	s2 =	sadd.s32 s3, s2  }
0x8d: {  	s2 =	sadd.s32 s2, s14  }
0x8e: {  	[smem:$0x3FBB] =	sst s2  }
0x8f: {  	_ = 	snop  }
0x90: {  	s2 =	sld [smem:$0x3FD0];
	_ =	sdelay $0x2  }
0x91: {  	s15 =	simm.s32 $0xA;
	s4 =	simm.s32 $0x10  }
0x92: {  	[smem:s4], [sflag:s15] =	dma.local [hbm:s2], $0x1  }
0x93: {  	_ =	swait.eq [sflag:s15], $0x1  }
0x94: {  	[sflag:s15] =	ssyncset.done $0x0  }
0x95: {  	s16 =	sld [smem:$0x10];
	[sflag:s15] =	ssyncadd.s32 $0xFFFFFFFF  }
0x96: {  	s17 =	sld [smem:$0x11];
	(tm) =	ssettm $0x1  }
0x97: {  	s18 =	sld [smem:$0x3FFB];
	_ =	sdelay $0x3  }
0x98: {  	_ =	strace s18  }
0x99: {  	s4 =	sld [smem:$0x3FFC];
	_ =	sdelay $0x3  }
0x9a: {  	_ =	strace s4  }
0x9b: {  	s4 =	sld [smem:$0x3FFD];
	_ =	sdelay $0x3  }
0x9c: {  	_ =	strace s4  }
0x9d: {  	_ =	strace $0x8FFFFFFF  }
0x9e: {  	s19 =	sld [smem:$0x3FDB];
	_ =	sdelay $0x1  }
0x9f: {  	s5 =	simm.s32 $_scs_section_size  }
0xa0: {  	s6 =	simm.s32 $_size__tile_overlayer_lowered;
	s7 =	simm.s32 $_tile_overlayer_lowered  }
0xa1: {  	s22 =	simm.s32 $0x1BFF;
	s21 =	sshll.u32 s7, $0x1;
	s4 =	sadd.s32 s5, s19  }
0xa2: {  	s8 =	simm.s32 $0x0;
	s20 =	sshll.u32 s6, $0x1;
	s6 =	sadd.s32 s21, s4  }
0xa3: {  	[timem:s8], [sflag:s22] =	dma.local [hbm:s6], s20  }
0xa4: {  	_ =	swait.ge [sflag:s22], s20  }
0xa5: {  	s5 =	ssub.s32 $0x0, s20;
	[sflag:s22] =	ssyncset.done $0x0  }
0xa6: {  	[sflag:s22] =	ssyncadd.s32 s5;
	_ =	sdelay $0x1  }
0xa7: {  	s23 =	simm.s32 $0x1B8B  }
0xa8: {  	_ =	swait.ge [sflag:s23], $0x1  }
0xa9: {  	[sflag:s23] =	ssyncset.done $0x0  }
0xaa: {  	s25 =	simm.s32 $0x1B8E;
	s24 =	sld [smem:$0x3FFE];
	[sflag:s23] =	ssyncadd.s32 $0xFFFFFFFF  }
0xab: {  	s26 =	simm.s32 $execute0_lowered;
	[smem:$0x3FD2] =	sst s25  }
0xac: {  	s6 =	sshll.u32 s26, $0x1;
	_ =	strace $0x80000046;
	[dreg:$0x1] =	wrdreg $0xFFFFFFFF  }
0xad: {  	s28 =	simm.s32 $_size_execute0_lowered;
	s4 =	sadd.s32 s4, s6;
	[dreg:$0x0] =	wrdreg $0x0  }
0xae: {  	s6 =	sshll.u32 s28, $0x1;
	[dreg:$0x2] =	wrdreg s4  }
0xaf: {  	[dreg:$0x3] =	wrdreg s6  }
0xb0: {  	[dreg:$0x4] =	wrdreg $0xC0  }
0xb1: {  	_ =	task [dreg:s8], $0x5FFFF  }
0xb2: {  	[dreg:$0x1] =	wrdreg $0xFFFFFFFF  }
0xb3: {  	[dreg:$0x0] =	wrdreg $0x60  }
0xb4: {  	[dreg:$0x2] =	wrdreg s16  }
0xb5: {  	[dreg:$0x3] =	wrdreg s24  }
0xb6: {  	[dreg:$0x4] =	wrdreg s17  }
0xb7: {  	[dreg:$0x5] =	wrdreg $0x77800  }
0xb8: {  	[dreg:$0x6] =	wrdreg $0x9  }
0xb9: {  	_ =	task.clear_ibuf [dreg:s8], $0x7FFFF;
	_ =	strace $0x90000046  }
0xba: {  	s29 =	simm.s32 $0x9;
	_ =	strace $0x80000048  }
0xbb: {  	_ =	swait.ge [sflag:s29], $0x1  }
0xbc: {  	[sflag:s29] =	ssyncadd.s32 $0xFFFFFFFF  }
0xbd: {  	_ =	strace $0x90000048  }
0xbe: {  	_ =	sfence  }
0xbf: {  	s30 =	sld [smem:$0x0];
	_ =	sdelay $0x2  }
0xc0: {  	s31 =	sshll.u32 s1, $0xD;
	s1 =	sshrl.u32 s1, $0x2  }
0xc1: {  	s3 =	sand.u32 $0x4000, s31;
	s1 =	sadd.s32 s1, s30  }
0xc2: {  	s0 =	sor.u32 s3, s0;
	s1 =	sshll.u32 s1, $0x11  }
0xc3: {  	s0 =	sor.u32 s1, s0  }
0xc4: {  	s0 =	sadd.s32 $0x8F2B, s0  }
0xc5: {  	[sflag:s0] =	ssyncadd.remote.s32 $0x1  }
0xc6: {  	_ =	sfence.sel $0xFFFF  }
0xc7: {  	[dreg:$0x0] =	wrdreg $0xFFFFFFFF;
	(pc) =	sbr.abs _section_cstart, $3  }
0xc8: {  	[dreg:$0x1] =	wrdreg $0xFFFFFFFF  }
0xc9: {  	_ =	task.clear_ibuf [dreg:s8], $0x2FFFF;
	_ =	strace $0x9FFFFFFF  }
0xca: {  	(tm) =	ssettm $0x7FFFFFFF  }
0xcb: {  	_ =	shalt  }
tec
execute0_lowered:
.L_overlay_start_1:
0x0: {  	(tag) =	ssettag $0x1  }
0x1: {  	s4 =	rddreg [dreg:$0x0]  }
0x2: {  	s5 =	rddreg [dreg:$0x1]  }
0x3: {  	s6 =	rddreg [dreg:$0x2]  }
0x4: {  	s2 =	rddreg [dreg:$0x3];
	s3 =	srdreg.scid  }
0x5: {  	s0 =	rddreg [dreg:$0x4];
	s1 =	stileid.u32  }
0x6: {  	s13 =	simm.s32 $0x4F00;
	s14 =	simm.s32 $0x50;
	s15 =	simm.s32 $0x7700  }
0x7: {  	s16 =	simm.s32 $0x0;
	s7 =	sand.u32 $0x1, s3;
	s3 =	simm.s32 $0x0  }
0x8: {  	s9 =	sshrl.u32 s1, $0x3;
	s10 =	sshll.u32 s1, $0x7;
	s30 =	sshll.u32 s1, $0xA  }
0x9: {  	p0 =	sgt.u32 s1, $0x9;
	s8 =	smul.u32 $0x4F000, s7;
	[smem:$0x7FF] =	sst s3  }
0xa: {  	s9 =	smul.u32 $0x27800, s9;
	s5 =	sadd.s32 s10, s5;
	s28 =	sand.u32 $0x380, s10  }
0xb: {  	s29 =	smul.u32 $0x2800, s7;
	s7 =	ssub.s32 $0x2, s7;
	s12 =	sadd.s32 s30, s2  }
0xc: {  	_ =	strace $0x80000047;
	s11 =	sshrl.u32 s7, $0x1;
	s5 =	sadd.s32 $0x2E00, s5  }
0xd: {  	s12 =	sshrl.u32 @!p0 s12, $0x3;
	s8 =	sadd.s32 s8, s9;
	s10 =	sadd.s32 s30, s29  }
0xe: {  	s7 =	ssub.s32 s7, s11;
	s9 =	simm.s32 $0x400;
	s11 =	sshll.u32 @!p0 s1, $0x6  }
0xf: {  	v0 =	vlaneseq.u32;
	s8 =	sor.u32 s28, s8;
	s31 =	sshrl.u32 s10, $0x3;
	s7 =	smax.u32 s7, $0x1  }
0x10: {  	v1 =	vimm.f32 $0.0e+00;
	v6 =	vimm.f32 $1.000000000e+00;
	v2 =	vor.u32 $0x10, v0;
	s10 =	simm.s32 $0x1;
	s11 =	sor.u32 @!p0 $0x1C01, s11;
	s8 =	sshrl.u32 s8, $0x3  }
0x11: {  	v3 =	vor.u32 $0x20, v0;
	v4 =	vor.u32 $0x30, v0;
	v5 =	vor.u32 $0x40, v0;
	s6 =	sadd.s32 s6, s31;
	s4 =	sadd.s32 s4, s8;
	s8 =	simm.s32 $0x80  }
.LBB2_1:
0x12: {  	[tilespmem:s3], [sflag:$0x1] =	stream.strided.gather [hbm4b:s4+s8], $0x4F00, s9, s8, $0x38;
	[tilespmem:$0x7A00] =	vst v63  }
0x13: {  	_ =	swait.ge [sflag:s10], $0x4F00  }
0x14: {  	[sflag:s10] =	ssyncset.done $0x0  }
0x15: {  	s17 =	simm.s32 $0x0;
	s18 =	simm.s32 $0x200;
	[sflag:s10] =	ssyncadd.s32 $0xFFFFB100  }
.LBB2_2:
0x16: {  	p1 =	sne.s32 s18, $0x9E00;
	[tilespmem:s17+$0x4F70] =	vst v1  }
0x17: {  	[tilespmem:s17+$0x4F00] =	vst v1  }
0x18: {  	[tilespmem:s17+$0x4F10] =	vst v1  }
.Ltmp0:
0x19: {  	[tilespmem:s17+$0x4F20] =	vst v1;
	(pc) =	sbr.rel @p1 .LBB2_2-.Ltmp0, $4  }
0x1a: {  	[tilespmem:s17+$0x4F30] =	vst v1  }
0x1b: {  	[tilespmem:s17+$0x4F40] =	vst v1  }
0x1c: {  	[tilespmem:s17+$0x4F50] =	vst v1  }
0x1d: {  	[tilespmem:s17+$0x4F60] =	vst v1;
	s17 =	sshra.s32 s18, $0x2;
	s18 =	sadd.s32 $0x200, s18  }
0x1e: {  	[tilespmem:s17+$0x4F70] =	vst v1  }
0x1f: {  	[tilespmem:s17+$0x4F00] =	vst v1  }
0x20: {  	[tilespmem:s17+$0x4F10] =	vst v1  }
0x21: {  	[tilespmem:s17+$0x4F20] =	vst v1  }
0x22: {  	[tilespmem:s17+$0x4F30] =	vst v1  }
0x23: {  	[tilespmem:s17+$0x4F40] =	vst v1  }
0x24: {  	[tilespmem:s17+$0x4F50] =	vst v1  }
0x25: {  	[tilespmem:s17+$0x4F60] =	vst v1  }
0x26: {  	[tilespmem:$0x7700] =	vst v0  }
0x27: {  	[tilespmem:$0x7710] =	vst v2  }
0x28: {  	[tilespmem:$0x7720] =	vst v3  }
0x29: {  	[tilespmem:$0x7730] =	vst v4  }
0x2a: {  	s17 =	simm.s32 @!p0 $0x1;
	[tilespmem:$0x7740] =	vst v5  }
0x2b: {  	[spmem:s12], [sflag:s11] =	dma.local @!p0 [hbm:s5], $0x80  }
0x2c: {  	_ =	swait.ge @!p0 [sflag:s17], $0x80  }
0x2d: {  	[sflag:s17] =	ssyncset.done @!p0 $0x0  }
0x2e: {  	s18 =	simm.s32 $0x0;
	[sflag:s17] =	ssyncadd.s32 @!p0 $0xFFFFFF80;
	s17 =	simm.s32 $0x40  }
.LBB2_4:
0x2f: {  	p1 =	sne.s32 s17, $0x13BC0;
	v7 =	vld [tilespmem:s18+$0x0];
	_ =	sdelay $0x3  }
.Ltmp1:
0x30: {  	(pc) =	sbr.rel @p1 .LBB2_4-.Ltmp1, $2  }
0x31: {  	_ =	sdelay $0x2  }
0x32: {  	s18 =	sshra.s32 s17, $0x2;
	s17 =	sadd.s32 $0x40, s17;
	[tilespmem:v7+s13+$0x0] =	vst.idx.add.f32.msk $0xffff, v6  }
0x33: {  	v7 =	vld [tilespmem:s18+$0x0];
	_ =	sdelay $0x7  }
0x34: {  	[tilespmem:v7+s13+$0x0] =	vst.idx.add.f32.msk $0xffff, v6  }
0x35: {  	[bflag:$0x0] =	sbarrier.arrive $0xFFFF  }
0x36: {  	[spmem:s2] =	stream.indirect.scatter.add.f32 [tilespmem:s13], [sflag:$0x1], $0x80, s15, s14, $0xb8;
	[tilespmem:$0x7A00] =	vst v63  }
0x37: {  	_ =	swait.ge [sflag:s10], $0x2800  }
0x38: {  	s16 =	sadd.s32 $0x1, s16;
	[sflag:s10] =	ssyncset.done $0x0  }
0x39: {  	p1 =	sne.s32 s16, s7;
	[sflag:s10] =	ssyncadd.s32 $0xFFFFD800  }
.Ltmp2:
0x3a: {  	s17 =	simm.s32 @!p0 $0x1;
	[bflag:$0x0] =	sbarrier.arrive $0xFFFF;
	(pc) =	sbr.rel @p1 .LBB2_1-.Ltmp2, $4  }
0x3b: {  	[hbm:s6], [sflag:s11] =	dma.local @!p0 [spmem:s12], $0x80  }
0x3c: {  	_ =	swait.ge @!p0 [sflag:s17], $0x80  }
0x3d: {  	[sflag:s17] =	ssyncset.done @!p0 $0x0  }
0x3e: {  	[sflag:s17] =	ssyncadd.s32 @!p0 $0xFFFFFF80  }
0x3f: {  	_ =	sfence.sel $0x180000  }
0x40: {  	[bflag:$0x0] =	sbarrier.arrive $0xFFFF  }
0x41: {  	p0 =	sne.s32 s1, $0x0;
	_ =	strace $0x90000047  }
0x42: {  	s0 =	sadd.s32 @!p0 $0x100000, s0;
	[bflag:$0x2] =	sbarrier.arrive $0xFFFF  }
0x43: {  	[sflag:s0] =	ssyncadd.tile.s32 @!p0 $0x1;
	_ =	shalt  }
.Lfunc_end2:
_tile_overlayer_lowered:
.L_overlay_start_2:
0x44: {  	(tag) =	ssettag $0x2  }
0x45: {  	s0 =	rddreg [dreg:$0x0];
	s2 =	stileid.u32  }
0x46: {  	s1 =	rddreg [dreg:$0x1];
	p0 =	sne.s32 s2, $0x0  }
0x47: {  	s3 =	rddreg [dreg:$0x2];
	[bflag:$0x3] =	sbarrier.arrive $0xFFFF;
	s2 =	simm.s32 @!p0 $0x1C01  }
0x48: {  	[timem:s3], [sflag:s2] =	dma.local @!p0 [hbm:s0], s1  }
0x49: {  	s0 =	simm.s32 @!p0 $0x1  }
0x4a: {  	_ =	swait.ge @!p0 [sflag:s0], s1  }
0x4b: {  	s1 =	ssub.s32 @!p0 $0x0, s1;
	[sflag:s0] =	ssyncset.done @!p0 $0x0  }
0x4c: {  	[sflag:s0] =	ssyncadd.s32 @!p0 s1  }
0x4d: {  	[bflag:$0x3] =	sbarrier.arrive $0xFFFF  }
0x4e: {  	_ =	shalt  }

</sc_bundles>
